<compile_context>
chip_gen: v7x
topology: tpu7x:2x2x1
jax: 0.10.2.dev20260603
libtpu: 0.0.44.dev20260713+nightly
codegen_flags: <defaults>
</compile_context>

<pallas_src>
import jax
import jax.numpy as jnp
from jax import lax
from jax.experimental import pallas as pl
from jax.experimental.pallas import tpu as pltpu
from jax.experimental.pallas import tpu_sc as plsc

N = 10000
E = 320000
D_IN = 128
H = 256
OUT = 64
EPS = 1e-5

HH = H // 2
NTILES = 16
CHUNK = 80
NCHUNK = E // NTILES // CHUNK
G = 50
PT = NCHUNK * CHUNK
STRIPE = N // NTILES
BN = 2000
GRID = N // BN


def _sc_body(w2, src3, dst3, zrows, out, acc, src_v, dst_v, rows0, rows1,
             rows2, rows3, sem0, sem1, sem2, sem3):
    rows = (rows0, rows1, rows2, rows3)
    sems = (sem0, sem1, sem2, sem3)
    c = lax.axis_index("c")
    s = lax.axis_index("s")
    pltpu.sync_copy(zrows, acc.at[pl.ds(s * STRIPE, STRIPE)])
    plsc.subcore_barrier()

    def group(g, carry):
        pltpu.sync_copy(src3.at[pl.ds(s * PT + g * G * CHUNK, G * CHUNK)],
                        src_v)
        pltpu.sync_copy(dst3.at[pl.ds(s * PT + g * G * CHUNK, G * CHUNK)],
                        dst_v)

        def xform(i, carry3):
            v = src_v[pl.ds(i * 16, 16)]
            src_v[pl.ds(i * 16, 16)] = v * 2 + c
            return carry3

        lax.fori_loop(0, G * CHUNK // 16, xform, 0)

        for b in range(4):
            pltpu.async_copy(
                w2.at[src_v.at[pl.ds(b * CHUNK, CHUNK)]], rows[b], sems[b])

        def quad(i, carry2):
            j0 = 4 * i
            for b in range(4):
                j = j0 + b
                pltpu.make_async_copy(
                    w2.at[src_v.at[pl.ds(j * CHUNK, CHUNK)]],
                    rows[b], sems[b]).wait()
                pltpu.sync_copy(rows[b], acc.at[dst_v.at[pl.ds(j * CHUNK, CHUNK)]], add=True)

                @pl.when(j + 4 < G)
                def _():
                    pltpu.async_copy(
                        w2.at[src_v.at[pl.ds((j + 4) * CHUNK, CHUNK)]],
                        rows[b], sems[b])

            return carry2

        lax.fori_loop(0, G // 4, quad, 0)
        for b in range(G - 4 * (G // 4)):
            j = 4 * (G // 4) + b
            pltpu.make_async_copy(
                w2.at[src_v.at[pl.ds(j * CHUNK, CHUNK)]],
                rows[b], sems[b]).wait()
            pltpu.sync_copy(rows[b], acc.at[dst_v.at[pl.ds(j * CHUNK, CHUNK)]], add=True)
        return carry

    lax.fori_loop(0, NCHUNK // G, group, 0)

    plsc.subcore_barrier()

    pltpu.sync_copy(
        acc.at[pl.ds(s * STRIPE, STRIPE)],
        out.at[c, pl.ds(s * STRIPE, STRIPE)],
    )


_sc_call = pl.kernel(
    _sc_body,
    out_type=jax.ShapeDtypeStruct((2, N, HH), jnp.float32),
    mesh=plsc.VectorSubcoreMesh(core_axis_name="c", subcore_axis_name="s"),
    scratch_types=[
        pltpu.VMEM_SHARED((N, HH), jnp.float32),
        pltpu.VMEM((G * CHUNK,), jnp.int32),
        pltpu.VMEM((G * CHUNK,), jnp.int32),
        pltpu.VMEM((CHUNK, HH), jnp.float32),
        pltpu.VMEM((CHUNK, HH), jnp.float32),
        pltpu.VMEM((CHUNK, HH), jnp.float32),
        pltpu.VMEM((CHUNK, HH), jnp.float32),
        pltpu.SemaphoreType.DMA,
        pltpu.SemaphoreType.DMA,
        pltpu.SemaphoreType.DMA,
        pltpu.SemaphoreType.DMA,
    ],
    compiler_params=pltpu.CompilerParams(use_tc_tiling_on_sc=False),
)


def _tc_body(seg, x, b_edge, g_en, be_en, W_em, b_em, W_n0, b_n0, g_nn,
             be_nn, W_n1, b_n1, W_c1, b_c1, W_c2, b_c2, W_f0, b_f0, g_fn,
             be_fn, W_f1, b_f1, out):
    inv = 1.0 / jnp.sqrt(jnp.float32(1.0 + EPS))
    s = jnp.concatenate([seg[0], seg[1]], axis=-1) + b_edge[...]
    s = jnp.maximum(s, 0.0)
    s = s * (inv * g_en[...]) + be_en[...]
    o = jnp.dot(s, W_em[...], preferred_element_type=jnp.float32) + b_em[...]
    o = o + jnp.dot(o, W_c1[...], preferred_element_type=jnp.float32) + b_c1[...]
    h = jnp.dot(x[...], W_n0[...], preferred_element_type=jnp.float32) + b_n0[...]
    h = jnp.maximum(h, 0.0)
    h = h * (inv * g_nn[...]) + be_nn[...]
    h2 = jnp.dot(h, W_n1[...], preferred_element_type=jnp.float32) + b_n1[...]
    o = o + h2 + jnp.dot(h2, W_c2[...], preferred_element_type=jnp.float32) + b_c2[...]
    o = jnp.maximum(o, 0.0)
    f = jnp.dot(o, W_f0[...], preferred_element_type=jnp.float32) + b_f0[...]
    f = jnp.maximum(f, 0.0)
    f = f * (inv * g_fn[...]) + be_fn[...]
    out[...] = jnp.dot(f, W_f1[...], preferred_element_type=jnp.float32) + b_f1[...]


def _full(shape):
    return pl.BlockSpec(shape, lambda i: (0,) * len(shape))


_tc_call = pl.pallas_call(
    _tc_body,
    grid=(GRID,),
    in_specs=[
        pl.BlockSpec((2, BN, HH), lambda i: (0, i, 0)),
        pl.BlockSpec((BN, D_IN), lambda i: (i, 0)),
        _full((1, H)),
        _full((1, H)), _full((1, H)),
        _full((H, H)), _full((1, H)),
        _full((D_IN, H)), _full((1, H)),
        _full((1, H)), _full((1, H)),
        _full((H, H)), _full((1, H)),
        _full((H, H)), _full((1, H)),
        _full((H, H)), _full((1, H)),
        _full((H, H)), _full((1, H)),
        _full((1, H)), _full((1, H)),
        _full((H, OUT)), _full((1, OUT)),
    ],
    out_specs=pl.BlockSpec((BN, OUT), lambda i: (i, 0)),
    out_shape=jax.ShapeDtypeStruct((N, OUT), jnp.float32),
)


def kernel(x, edge_index, W_edge, b_edge, g_en, be_en, W_em, b_em, W_n0,
           b_n0, g_nn, be_nn, W_n1, b_n1, W_c1, b_c1, W_c2, b_c2, W_f0,
           b_f0, g_fn, be_fn, W_f1, b_f1):
    src = edge_index[0]
    dst = edge_index[1]
    w2 = W_edge.reshape(2 * N, HH)
    src3 = src
    dst3 = dst
    zrows = jnp.zeros((STRIPE, HH), jnp.float32)

    seg = _sc_call(w2, src3, dst3, zrows)

    r1 = lambda v: v.reshape(1, -1)
    return _tc_call(seg, x, r1(b_edge), r1(g_en), r1(be_en), W_em, r1(b_em),
                    W_n0, r1(b_n0), r1(g_nn), r1(be_nn), W_n1, r1(b_n1),
                    W_c1, r1(b_c1), W_c2, r1(b_c2), W_f0, r1(b_f0),
                    r1(g_fn), r1(be_fn), W_f1, r1(b_f1))

# --- scband reference (transcript-rebuilt; emitter-appended) ---
"""Pipeline reference for scband-inductive-linkx-120259084794 (READ-ONLY COPY).

The authoritative reference and input builder live on the scoring server;
editing this copy changes nothing except your own understanding.
"""

import jax, jax.numpy as jnp
import numpy as np

N = 10000
E = 320000
D_IN = 128
H = 256
OUT = 64
EPS = 1e-5

def _bn(x, gamma, beta):
    # eval-mode BatchNorm1d with running_mean=0, running_var=1
    return x / jnp.sqrt(1.0 + EPS) * gamma + beta

def setup_inputs(seed: int = 0):
    key = jax.random.key(seed)
    ks = jax.random.split(key, 16)
    inp = {}
    inp["x"] = jax.random.normal(ks[0], (N, D_IN), dtype=jnp.float32)
    inp["edge_index"] = jax.random.randint(ks[1], (2, E), 0, N, dtype=jnp.int32)
    inp["W_edge"] = jax.random.normal(ks[2], (N, H), dtype=jnp.float32) * 0.02
    inp["b_edge"] = jnp.zeros((H,), dtype=jnp.float32)
    inp["g_en"] = jnp.ones((H,), dtype=jnp.float32)
    inp["be_en"] = jnp.zeros((H,), dtype=jnp.float32)
    inp["W_em"] = jax.random.normal(ks[3], (H, H), dtype=jnp.float32) * 0.05
    inp["b_em"] = jnp.zeros((H,), dtype=jnp.float32)
    inp["W_n0"] = jax.random.normal(ks[4], (D_IN, H), dtype=jnp.float32) * 0.05
    inp["b_n0"] = jnp.zeros((H,), dtype=jnp.float32)
    inp["g_nn"] = jnp.ones((H,), dtype=jnp.float32)
    inp["be_nn"] = jnp.zeros((H,), dtype=jnp.float32)
    inp["W_n1"] = jax.random.normal(ks[5], (H, H), dtype=jnp.float32) * 0.05
    inp["b_n1"] = jnp.zeros((H,), dtype=jnp.float32)
    inp["W_c1"] = jax.random.normal(ks[6], (H, H), dtype=jnp.float32) * 0.05
    inp["b_c1"] = jnp.zeros((H,), dtype=jnp.float32)
    inp["W_c2"] = jax.random.normal(ks[7], (H, H), dtype=jnp.float32) * 0.05
    inp["b_c2"] = jnp.zeros((H,), dtype=jnp.float32)
    inp["W_f0"] = jax.random.normal(ks[8], (H, H), dtype=jnp.float32) * 0.05
    inp["b_f0"] = jnp.zeros((H,), dtype=jnp.float32)
    inp["g_fn"] = jnp.ones((H,), dtype=jnp.float32)
    inp["be_fn"] = jnp.zeros((H,), dtype=jnp.float32)
    inp["W_f1"] = jax.random.normal(ks[9], (H, OUT), dtype=jnp.float32) * 0.05
    inp["b_f1"] = jnp.zeros((OUT,), dtype=jnp.float32)
    return inp

def reference(x, edge_index, W_edge, b_edge, g_en, be_en, W_em, b_em, W_n0, b_n0, g_nn, be_nn, W_n1, b_n1, W_c1, b_c1, W_c2, b_c2, W_f0, b_f0, g_fn, be_fn, W_f1, b_f1):
    src = edge_index[0]
    dst = edge_index[1]
    # SparseLinear: out[i] = sum_{(j->i) in E} W_edge[j] + bias  (gather rows by src, scatter-add by dst)
    msgs = jnp.take(W_edge, src, axis=0)
    out = jax.ops.segment_sum(msgs, dst, num_segments=N) + b_edge
    # num_edge_layers > 1: relu -> edge_norm -> edge_mlp (single linear since channels=[H,H])
    out = jax.nn.relu(out)
    out = _bn(out, g_en, be_en)
    out = out @ W_em + b_em
    # out = out + cat_lin1(out)
    out = out + (out @ W_c1 + b_c1)
    # node_mlp: channels=[D_IN, H, H], relu_first=True
    h = x @ W_n0 + b_n0
    h = jax.nn.relu(h)
    h = _bn(h, g_nn, be_nn)
    h = h @ W_n1 + b_n1
    out = out + h + (h @ W_c2 + b_c2)
    out = jax.nn.relu(out)
    # final_mlp: channels=[H, H, OUT], relu_first=True
    f = out @ W_f0 + b_f0
    f = jax.nn.relu(f)
    f = _bn(f, g_fn, be_fn)
    f = f @ W_f1 + b_f1
    return f

if __name__ == "__main__":
    import jax
    _d = setup_inputs()
    print(jax.jit(kernel)(*tuple(_d.values())))

</pallas_src>

<mosaic_0001>
#map = affine_map<(d0, d1) -> (0, 0)>
#map1 = affine_map<(d0, d1) -> (0)>
#map2 = affine_map<(d0, d1) -> (0, 0, 0)>
module attributes {stable_mosaic.version = 14 : i64} {
  func.func @_sc_body(%arg0: i32, %arg1: i32, %arg2: memref<20000x128xf32, #tpu.memory_space<hbm>>, %arg3: memref<320000xi32, #tpu.memory_space<hbm>>, %arg4: memref<320000xi32, #tpu.memory_space<hbm>>, %arg5: memref<625x128xf32, #tpu.memory_space<hbm>>, %arg6: memref<2x10000x128xf32, #tpu.memory_space<hbm>>, %arg7: memref<10000x128xf32, #tpu.memory_space<vmem_shared>>, %arg8: memref<4000xi32, #tpu.memory_space<vmem>>, %arg9: memref<4000xi32, #tpu.memory_space<vmem>>, %arg10: memref<80x128xf32, #tpu.memory_space<vmem>>, %arg11: memref<80x128xf32, #tpu.memory_space<vmem>>, %arg12: memref<80x128xf32, #tpu.memory_space<vmem>>, %arg13: memref<80x128xf32, #tpu.memory_space<vmem>>, %arg14: memref<!tpu.dma_semaphore, #tpu.memory_space<semaphore_mem>>, %arg15: memref<!tpu.dma_semaphore, #tpu.memory_space<semaphore_mem>>, %arg16: memref<!tpu.dma_semaphore, #tpu.memory_space<semaphore_mem>>, %arg17: memref<!tpu.dma_semaphore, #tpu.memory_space<semaphore_mem>>) attributes {dimension_semantics = [#tpu.dimension_semantics<core_parallel>, #tpu.dimension_semantics<subcore_parallel>], iteration_bounds = array<i64: 2, 16>, scalar_prefetch = 0 : i64, scratch_operands = 11 : i64, tpu.core_type = #tpu.core_type<sc_vector_subcore>, window_params = [{transform_indices = #map}, {transform_indices = #map1}, {transform_indices = #map1}, {transform_indices = #map}, {transform_indices = #map2}]} {
    %mul3A = arith.constant 625 : i32
    %mul3A_0 = arith.muli %arg1, %mul3A : i32
    "tpu.region"() ({
      %run_scoped3A = tpu.sem_alloc : memref<!tpu.dma_semaphore, #tpu.memory_space<semaphore_mem>>
      %dma_start3A = arith.constant 0 : i32
      %dma_start3A_11 = tpu.memref_slice %arg7[%mul3A_0, %dma_start3A] : memref<10000x128xf32, #tpu.memory_space<vmem_shared>> -> memref<625x128xf32, #tpu.memory_space<vmem_shared>>
      tpu.enqueue_dma source(%arg5 : memref<625x128xf32, #tpu.memory_space<hbm>>) target(%dma_start3A_11 : memref<625x128xf32, #tpu.memory_space<vmem_shared>>) target_semaphore(%run_scoped3A : memref<!tpu.dma_semaphore, #tpu.memory_space<semaphore_mem>>)
      %dma_wait3A = arith.constant 0 : i32
      %dma_wait3A_12 = tpu.memref_slice %arg7[%mul3A_0, %dma_wait3A] : memref<10000x128xf32, #tpu.memory_space<vmem_shared>> -> memref<625x128xf32, #tpu.memory_space<vmem_shared>>
      tpu.wait_dma2 semaphore(%run_scoped3A : memref<!tpu.dma_semaphore, #tpu.memory_space<semaphore_mem>>) src(%arg5 : memref<625x128xf32, #tpu.memory_space<hbm>>) dst(%dma_wait3A_12 : memref<625x128xf32, #tpu.memory_space<vmem_shared>>)
      tpu.yield
    }) : () -> ()
    %barrier3A = arith.constant 0 : index
    tpu.barrier barrier_id(%barrier3A)
    %scan3A = arith.constant 0 : i32
    %scan3A_1 = arith.constant 0 : i32
    %scan3A_2 = arith.constant 5 : i32
    %scan3A_3 = arith.addi %scan3A_1, %scan3A_2 : i32
    %scan3A_4 = arith.constant 1 : i32
    scf.for %scan3A_11 = %scan3A_1 to %scan3A_3 step %scan3A_4  : i32 {
      %mul3A_12 = arith.constant 20000 : i32
      %mul3A_13 = arith.muli %arg1, %mul3A_12 : i32
      %mul3A_14 = arith.constant 50 : i32
      %mul3A_15 = arith.muli %scan3A_11, %mul3A_14 : i32
      %mul3A_16 = arith.constant 80 : i32
      %mul3A_17 = arith.muli %mul3A_15, %mul3A_16 : i32
      %add3A = arith.addi %mul3A_13, %mul3A_17 : i32
      "tpu.region"() ({
        %run_scoped3A = tpu.sem_alloc : memref<!tpu.dma_semaphore, #tpu.memory_space<semaphore_mem>>
        %dma_start3A_65 = tpu.memref_slice %arg3[%add3A] : memref<320000xi32, #tpu.memory_space<hbm>> -> memref<4000xi32, #tpu.memory_space<hbm>>
        %dma_start3A_66 = tpu.memref_slice %arg3[%add3A] : memref<320000xi32, #tpu.memory_space<hbm>> -> memref<4000xi32, #tpu.memory_space<hbm>>
        tpu.enqueue_dma source(%dma_start3A_66 : memref<4000xi32, #tpu.memory_space<hbm>>) target(%arg8 : memref<4000xi32, #tpu.memory_space<vmem>>) target_semaphore(%run_scoped3A : memref<!tpu.dma_semaphore, #tpu.memory_space<semaphore_mem>>)
        %dma_wait3A_67 = tpu.memref_slice %arg3[%add3A] : memref<320000xi32, #tpu.memory_space<hbm>> -> memref<4000xi32, #tpu.memory_space<hbm>>
        %dma_wait3A_68 = tpu.memref_slice %arg3[%add3A] : memref<320000xi32, #tpu.memory_space<hbm>> -> memref<4000xi32, #tpu.memory_space<hbm>>
        tpu.wait_dma2 semaphore(%run_scoped3A : memref<!tpu.dma_semaphore, #tpu.memory_space<semaphore_mem>>) src(%dma_wait3A_68 : memref<4000xi32, #tpu.memory_space<hbm>>) dst(%arg8 : memref<4000xi32, #tpu.memory_space<vmem>>)
        tpu.yield
      }) : () -> ()
      %mul3A_18 = arith.constant 20000 : i32
      %mul3A_19 = arith.muli %arg1, %mul3A_18 : i32
      %mul3A_20 = arith.constant 50 : i32
      %mul3A_21 = arith.muli %scan3A_11, %mul3A_20 : i32
      %mul3A_22 = arith.constant 80 : i32
      %mul3A_23 = arith.muli %mul3A_21, %mul3A_22 : i32
      %add3A_24 = arith.addi %mul3A_19, %mul3A_23 : i32
      "tpu.region"() ({
        %run_scoped3A = tpu.sem_alloc : memref<!tpu.dma_semaphore, #tpu.memory_space<semaphore_mem>>
        %dma_start3A_65 = tpu.memref_slice %arg4[%add3A_24] : memref<320000xi32, #tpu.memory_space<hbm>> -> memref<4000xi32, #tpu.memory_space<hbm>>
        %dma_start3A_66 = tpu.memref_slice %arg4[%add3A_24] : memref<320000xi32, #tpu.memory_space<hbm>> -> memref<4000xi32, #tpu.memory_space<hbm>>
        tpu.enqueue_dma source(%dma_start3A_66 : memref<4000xi32, #tpu.memory_space<hbm>>) target(%arg9 : memref<4000xi32, #tpu.memory_space<vmem>>) target_semaphore(%run_scoped3A : memref<!tpu.dma_semaphore, #tpu.memory_space<semaphore_mem>>)
        %dma_wait3A_67 = tpu.memref_slice %arg4[%add3A_24] : memref<320000xi32, #tpu.memory_space<hbm>> -> memref<4000xi32, #tpu.memory_space<hbm>>
        %dma_wait3A_68 = tpu.memref_slice %arg4[%add3A_24] : memref<320000xi32, #tpu.memory_space<hbm>> -> memref<4000xi32, #tpu.memory_space<hbm>>
        tpu.wait_dma2 semaphore(%run_scoped3A : memref<!tpu.dma_semaphore, #tpu.memory_space<semaphore_mem>>) src(%dma_wait3A_68 : memref<4000xi32, #tpu.memory_space<hbm>>) dst(%arg9 : memref<4000xi32, #tpu.memory_space<vmem>>)
        tpu.yield
      }) : () -> ()
      %scan3A_25 = arith.constant 0 : i32
      %scan3A_26 = arith.constant 0 : i32
      %scan3A_27 = arith.constant 250 : i32
      %scan3A_28 = arith.addi %scan3A_26, %scan3A_27 : i32
      %scan3A_29 = arith.constant 1 : i32
      scf.for %scan3A_65 = %scan3A_26 to %scan3A_28 step %scan3A_29  : i32 {
        %mul3A_66 = arith.constant 16 : i32
        %mul3A_67 = arith.muli %scan3A_65, %mul3A_66 : i32
        %get3A = arith.index_cast %mul3A_67 : i32 to index
        %get3A_68 = tpu.vector_load %arg8[%get3A] {strides = array<i32>} : memref<4000xi32, #tpu.memory_space<vmem>>, vector<16xi32>,
        %get3A_69 = vector.shape_cast %get3A_68 : vector<16xi32> to vector<16xi32>
        %mul3A_70 = arith.constant 2 : i32
        %mul3A_71 = vector.broadcast %mul3A_70 : i32 to vector<16xi32>
        %mul3A_72 = arith.muli %get3A_69, %mul3A_71 : vector<16xi32>
        %add3A_73 = vector.broadcast %arg0 : i32 to vector<16xi32>
        %add3A_74 = arith.addi %mul3A_72, %add3A_73 : vector<16xi32>
        %mul3A_75 = arith.constant 16 : i32
        %mul3A_76 = arith.muli %scan3A_65, %mul3A_75 : i32
        %swap3A = arith.index_cast %mul3A_76 : i32 to index
        %swap3A_77 = tpu.vector_load %arg8[%swap3A] {strides = array<i32>} : memref<4000xi32, #tpu.memory_space<vmem>>, vector<16xi32>,
        %swap3A_78 = vector.shape_cast %swap3A_77 : vector<16xi32> to vector<16xi32>
        %swap3A_79 = vector.shape_cast %add3A_74 : vector<16xi32> to vector<16xi32>
        tpu.vector_store %arg8[%swap3A], %swap3A_79 {strides = array<i32>} : memref<4000xi32, #tpu.memory_space<vmem>>, vector<16xi32>,
      }
      %scan3A_30 = arith.constant 250 : i32
      %dma_start3A = arith.constant 0 : i32
      %dma_start3A_31 = tpu.memref_slice %arg8[%dma_start3A] : memref<4000xi32, #tpu.memory_space<vmem>> -> memref<80xi32, #tpu.memory_space<vmem>>
      %dma_start3A_32 = arith.constant 0 : i32
      %dma_start3A_33 = arith.constant 0 : i32
      %dma_start3A_34 = tpu.memref_slice %arg2[%dma_start3A_32, %dma_start3A_33] : memref<20000x128xf32, #tpu.memory_space<hbm>> -> memref<20000x128xf32, #tpu.memory_space<hbm>>
      tpu.enqueue_indirect_dma source(%dma_start3A_34 : memref<20000x128xf32, #tpu.memory_space<hbm>>) target(%arg10 : memref<80x128xf32, #tpu.memory_space<vmem>>) offsets(%dma_start3A_31 : memref<80xi32, #tpu.memory_space<vmem>>) semaphore(%arg14 : memref<!tpu.dma_semaphore, #tpu.memory_space<semaphore_mem>>)
      %dma_start3A_35 = arith.constant 80 : i32
      %dma_start3A_36 = tpu.memref_slice %arg8[%dma_start3A_35] : memref<4000xi32, #tpu.memory_space<vmem>> -> memref<80xi32, #tpu.memory_space<vmem>>
      %dma_start3A_37 = arith.constant 0 : i32
      %dma_start3A_38 = arith.constant 0 : i32
      %dma_start3A_39 = tpu.memref_slice %arg2[%dma_start3A_37, %dma_start3A_38] : memref<20000x128xf32, #tpu.memory_space<hbm>> -> memref<20000x128xf32, #tpu.memory_space<hbm>>
      tpu.enqueue_indirect_dma source(%dma_start3A_39 : memref<20000x128xf32, #tpu.memory_space<hbm>>) target(%arg11 : memref<80x128xf32, #tpu.memory_space<vmem>>) offsets(%dma_start3A_36 : memref<80xi32, #tpu.memory_space<vmem>>) semaphore(%arg15 : memref<!tpu.dma_semaphore, #tpu.memory_space<semaphore_mem>>)
      %dma_start3A_40 = arith.constant 160 : i32
      %dma_start3A_41 = tpu.memref_slice %arg8[%dma_start3A_40] : memref<4000xi32, #tpu.memory_space<vmem>> -> memref<80xi32, #tpu.memory_space<vmem>>
      %dma_start3A_42 = arith.constant 0 : i32
      %dma_start3A_43 = arith.constant 0 : i32
      %dma_start3A_44 = tpu.memref_slice %arg2[%dma_start3A_42, %dma_start3A_43] : memref<20000x128xf32, #tpu.memory_space<hbm>> -> memref<20000x128xf32, #tpu.memory_space<hbm>>
      tpu.enqueue_indirect_dma source(%dma_start3A_44 : memref<20000x128xf32, #tpu.memory_space<hbm>>) target(%arg12 : memref<80x128xf32, #tpu.memory_space<vmem>>) offsets(%dma_start3A_41 : memref<80xi32, #tpu.memory_space<vmem>>) semaphore(%arg16 : memref<!tpu.dma_semaphore, #tpu.memory_space<semaphore_mem>>)
      %dma_start3A_45 = arith.constant 240 : i32
      %dma_start3A_46 = tpu.memref_slice %arg8[%dma_start3A_45] : memref<4000xi32, #tpu.memory_space<vmem>> -> memref<80xi32, #tpu.memory_space<vmem>>
      %dma_start3A_47 = arith.constant 0 : i32
      %dma_start3A_48 = arith.constant 0 : i32
      %dma_start3A_49 = tpu.memref_slice %arg2[%dma_start3A_47, %dma_start3A_48] : memref<20000x128xf32, #tpu.memory_space<hbm>> -> memref<20000x128xf32, #tpu.memory_space<hbm>>
      tpu.enqueue_indirect_dma source(%dma_start3A_49 : memref<20000x128xf32, #tpu.memory_space<hbm>>) target(%arg13 : memref<80x128xf32, #tpu.memory_space<vmem>>) offsets(%dma_start3A_46 : memref<80xi32, #tpu.memory_space<vmem>>) semaphore(%arg17 : memref<!tpu.dma_semaphore, #tpu.memory_space<semaphore_mem>>)
      %scan3A_50 = arith.constant 0 : i32
      %scan3A_51 = arith.constant 0 : i32
      %scan3A_52 = arith.constant 12 : i32
      %scan3A_53 = arith.addi %scan3A_51, %scan3A_52 : i32
      %scan3A_54 = arith.constant 1 : i32
      scf.for %scan3A_65 = %scan3A_51 to %scan3A_53 step %scan3A_54  : i32 {
        %mul3A_66 = arith.constant 4 : i32
        %mul3A_67 = arith.muli %mul3A_66, %scan3A_65 : i32
        %add3A_68 = arith.constant 0 : i32
        %add3A_69 = arith.addi %mul3A_67, %add3A_68 : i32
        %mul3A_70 = arith.constant 80 : i32
        %mul3A_71 = arith.muli %add3A_69, %mul3A_70 : i32
        %dma_wait3A_72 = tpu.memref_slice %arg8[%mul3A_71] : memref<4000xi32, #tpu.memory_space<vmem>> -> memref<80xi32, #tpu.memory_space<vmem>>
        %dma_wait3A_73 = arith.constant 0 : i32
        %dma_wait3A_74 = arith.constant 0 : i32
        %dma_wait3A_75 = tpu.memref_slice %arg2[%dma_wait3A_73, %dma_wait3A_74] : memref<20000x128xf32, #tpu.memory_space<hbm>> -> memref<20000x128xf32, #tpu.memory_space<hbm>>
        tpu.wait_indirect_dma semaphore(%arg14 : memref<!tpu.dma_semaphore, #tpu.memory_space<semaphore_mem>>) src(%dma_wait3A_75 : memref<20000x128xf32, #tpu.memory_space<hbm>>) dst(%arg10 : memref<80x128xf32, #tpu.memory_space<vmem>>)
        %mul3A_76 = arith.constant 80 : i32
        %mul3A_77 = arith.muli %add3A_69, %mul3A_76 : i32
        "tpu.region"() ({
          %run_scoped3A = tpu.sem_alloc : memref<!tpu.dma_semaphore, #tpu.memory_space<semaphore_mem>>
          %dma_start3A_133 = tpu.memref_slice %arg9[%mul3A_77] : memref<4000xi32, #tpu.memory_space<vmem>> -> memref<80xi32, #tpu.memory_space<vmem>>
          %dma_start3A_134 = arith.constant 0 : i32
          %dma_start3A_135 = arith.constant 0 : i32
          %dma_start3A_136 = tpu.memref_slice %arg7[%dma_start3A_134, %dma_start3A_135] : memref<10000x128xf32, #tpu.memory_space<vmem_shared>> -> memref<10000x128xf32, #tpu.memory_space<vmem_shared>>
          tpu.enqueue_indirect_dma source(%arg10 : memref<80x128xf32, #tpu.memory_space<vmem>>) target(%dma_start3A_136 : memref<10000x128xf32, #tpu.memory_space<vmem_shared>>) offsets(%dma_start3A_133 : memref<80xi32, #tpu.memory_space<vmem>>) semaphore(%run_scoped3A : memref<!tpu.dma_semaphore, #tpu.memory_space<semaphore_mem>>) {add = true}
          %dma_wait3A_137 = tpu.memref_slice %arg9[%mul3A_77] : memref<4000xi32, #tpu.memory_space<vmem>> -> memref<80xi32, #tpu.memory_space<vmem>>
          %dma_wait3A_138 = arith.constant 0 : i32
          %dma_wait3A_139 = arith.constant 0 : i32
          %dma_wait3A_140 = tpu.memref_slice %arg7[%dma_wait3A_138, %dma_wait3A_139] : memref<10000x128xf32, #tpu.memory_space<vmem_shared>> -> memref<10000x128xf32, #tpu.memory_space<vmem_shared>>
          tpu.wait_indirect_dma semaphore(%run_scoped3A : memref<!tpu.dma_semaphore, #tpu.memory_space<semaphore_mem>>) src(%arg10 : memref<80x128xf32, #tpu.memory_space<vmem>>) dst(%dma_wait3A_140 : memref<10000x128xf32, #tpu.memory_space<vmem_shared>>)
          tpu.yield
        }) : () -> ()
        %add3A_78 = arith.constant 4 : i32
        %add3A_79 = arith.addi %add3A_69, %add3A_78 : i32
        %lt3A = arith.constant 50 : i32
        %lt3A_80 = arith.cmpi slt, %add3A_79, %lt3A : i32
        %convert_element_type3A = arith.extui %lt3A_80 : i1 to i32
        %cond3A = arith.constant 0 : i32
        %cond3A_81 = arith.cmpi ne, %convert_element_type3A, %cond3A : i32
        scf.if %cond3A_81 {
          %add3A_133 = arith.constant 4 : i32
          %add3A_134 = arith.addi %add3A_69, %add3A_133 : i32
          %mul3A_135 = arith.constant 80 : i32
          %mul3A_136 = arith.muli %add3A_134, %mul3A_135 : i32
          %dma_start3A_137 = tpu.memref_slice %arg8[%mul3A_136] : memref<4000xi32, #tpu.memory_space<vmem>> -> memref<80xi32, #tpu.memory_space<vmem>>
          %dma_start3A_138 = arith.constant 0 : i32
          %dma_start3A_139 = arith.constant 0 : i32
          %dma_start3A_140 = tpu.memref_slice %arg2[%dma_start3A_138, %dma_start3A_139] : memref<20000x128xf32, #tpu.memory_space<hbm>> -> memref<20000x128xf32, #tpu.memory_space<hbm>>
          tpu.enqueue_indirect_dma source(%dma_start3A_140 : memref<20000x128xf32, #tpu.memory_space<hbm>>) target(%arg10 : memref<80x128xf32, #tpu.memory_space<vmem>>) offsets(%dma_start3A_137 : memref<80xi32, #tpu.memory_space<vmem>>) semaphore(%arg14 : memref<!tpu.dma_semaphore, #tpu.memory_space<semaphore_mem>>)
        } else {
        }
        %add3A_82 = arith.constant 1 : i32
        %add3A_83 = arith.addi %mul3A_67, %add3A_82 : i32
        %mul3A_84 = arith.constant 80 : i32
        %mul3A_85 = arith.muli %add3A_83, %mul3A_84 : i32
        %dma_wait3A_86 = tpu.memref_slice %arg8[%mul3A_85] : memref<4000xi32, #tpu.memory_space<vmem>> -> memref<80xi32, #tpu.memory_space<vmem>>
        %dma_wait3A_87 = arith.constant 0 : i32
        %dma_wait3A_88 = arith.constant 0 : i32
        %dma_wait3A_89 = tpu.memref_slice %arg2[%dma_wait3A_87, %dma_wait3A_88] : memref<20000x128xf32, #tpu.memory_space<hbm>> -> memref<20000x128xf32, #tpu.memory_space<hbm>>
        tpu.wait_indirect_dma semaphore(%arg15 : memref<!tpu.dma_semaphore, #tpu.memory_space<semaphore_mem>>) src(%dma_wait3A_89 : memref<20000x128xf32, #tpu.memory_space<hbm>>) dst(%arg11 : memref<80x128xf32, #tpu.memory_space<vmem>>)
        %mul3A_90 = arith.constant 80 : i32
        %mul3A_91 = arith.muli %add3A_83, %mul3A_90 : i32
        "tpu.region"() ({
          %run_scoped3A = tpu.sem_alloc : memref<!tpu.dma_semaphore, #tpu.memory_space<semaphore_mem>>
          %dma_start3A_133 = tpu.memref_slice %arg9[%mul3A_91] : memref<4000xi32, #tpu.memory_space<vmem>> -> memref<80xi32, #tpu.memory_space<vmem>>
          %dma_start3A_134 = arith.constant 0 : i32
          %dma_start3A_135 = arith.constant 0 : i32
          %dma_start3A_136 = tpu.memref_slice %arg7[%dma_start3A_134, %dma_start3A_135] : memref<10000x128xf32, #tpu.memory_space<vmem_shared>> -> memref<10000x128xf32, #tpu.memory_space<vmem_shared>>
          tpu.enqueue_indirect_dma source(%arg11 : memref<80x128xf32, #tpu.memory_space<vmem>>) target(%dma_start3A_136 : memref<10000x128xf32, #tpu.memory_space<vmem_shared>>) offsets(%dma_start3A_133 : memref<80xi32, #tpu.memory_space<vmem>>) semaphore(%run_scoped3A : memref<!tpu.dma_semaphore, #tpu.memory_space<semaphore_mem>>) {add = true}
          %dma_wait3A_137 = tpu.memref_slice %arg9[%mul3A_91] : memref<4000xi32, #tpu.memory_space<vmem>> -> memref<80xi32, #tpu.memory_space<vmem>>
          %dma_wait3A_138 = arith.constant 0 : i32
          %dma_wait3A_139 = arith.constant 0 : i32
          %dma_wait3A_140 = tpu.memref_slice %arg7[%dma_wait3A_138, %dma_wait3A_139] : memref<10000x128xf32, #tpu.memory_space<vmem_shared>> -> memref<10000x128xf32, #tpu.memory_space<vmem_shared>>
          tpu.wait_indirect_dma semaphore(%run_scoped3A : memref<!tpu.dma_semaphore, #tpu.memory_space<semaphore_mem>>) src(%arg11 : memref<80x128xf32, #tpu.memory_space<vmem>>) dst(%dma_wait3A_140 : memref<10000x128xf32, #tpu.memory_space<vmem_shared>>)
          tpu.yield
        }) : () -> ()
        %add3A_92 = arith.constant 4 : i32
        %add3A_93 = arith.addi %add3A_83, %add3A_92 : i32
        %lt3A_94 = arith.constant 50 : i32
        %lt3A_95 = arith.cmpi slt, %add3A_93, %lt3A_94 : i32
        %convert_element_type3A_96 = arith.extui %lt3A_95 : i1 to i32
        %cond3A_97 = arith.constant 0 : i32
        %cond3A_98 = arith.cmpi ne, %convert_element_type3A_96, %cond3A_97 : i32
        scf.if %cond3A_98 {
          %add3A_133 = arith.constant 4 : i32
          %add3A_134 = arith.addi %add3A_83, %add3A_133 : i32
          %mul3A_135 = arith.constant 80 : i32
          %mul3A_136 = arith.muli %add3A_134, %mul3A_135 : i32
          %dma_start3A_137 = tpu.memref_slice %arg8[%mul3A_136] : memref<4000xi32, #tpu.memory_space<vmem>> -> memref<80xi32, #tpu.memory_space<vmem>>
          %dma_start3A_138 = arith.constant 0 : i32
          %dma_start3A_139 = arith.constant 0 : i32
          %dma_start3A_140 = tpu.memref_slice %arg2[%dma_start3A_138, %dma_start3A_139] : memref<20000x128xf32, #tpu.memory_space<hbm>> -> memref<20000x128xf32, #tpu.memory_space<hbm>>
          tpu.enqueue_indirect_dma source(%dma_start3A_140 : memref<20000x128xf32, #tpu.memory_space<hbm>>) target(%arg11 : memref<80x128xf32, #tpu.memory_space<vmem>>) offsets(%dma_start3A_137 : memref<80xi32, #tpu.memory_space<vmem>>) semaphore(%arg15 : memref<!tpu.dma_semaphore, #tpu.memory_space<semaphore_mem>>)
        } else {
        }
        %add3A_99 = arith.constant 2 : i32
        %add3A_100 = arith.addi %mul3A_67, %add3A_99 : i32
        %mul3A_101 = arith.constant 80 : i32
        %mul3A_102 = arith.muli %add3A_100, %mul3A_101 : i32
        %dma_wait3A_103 = tpu.memref_slice %arg8[%mul3A_102] : memref<4000xi32, #tpu.memory_space<vmem>> -> memref<80xi32, #tpu.memory_space<vmem>>
        %dma_wait3A_104 = arith.constant 0 : i32
        %dma_wait3A_105 = arith.constant 0 : i32
        %dma_wait3A_106 = tpu.memref_slice %arg2[%dma_wait3A_104, %dma_wait3A_105] : memref<20000x128xf32, #tpu.memory_space<hbm>> -> memref<20000x128xf32, #tpu.memory_space<hbm>>
        tpu.wait_indirect_dma semaphore(%arg16 : memref<!tpu.dma_semaphore, #tpu.memory_space<semaphore_mem>>) src(%dma_wait3A_106 : memref<20000x128xf32, #tpu.memory_space<hbm>>) dst(%arg12 : memref<80x128xf32, #tpu.memory_space<vmem>>)
        %mul3A_107 = arith.constant 80 : i32
        %mul3A_108 = arith.muli %add3A_100, %mul3A_107 : i32
        "tpu.region"() ({
          %run_scoped3A = tpu.sem_alloc : memref<!tpu.dma_semaphore, #tpu.memory_space<semaphore_mem>>
          %dma_start3A_133 = tpu.memref_slice %arg9[%mul3A_108] : memref<4000xi32, #tpu.memory_space<vmem>> -> memref<80xi32, #tpu.memory_space<vmem>>
          %dma_start3A_134 = arith.constant 0 : i32
          %dma_start3A_135 = arith.constant 0 : i32
          %dma_start3A_136 = tpu.memref_slice %arg7[%dma_start3A_134, %dma_start3A_135] : memref<10000x128xf32, #tpu.memory_space<vmem_shared>> -> memref<10000x128xf32, #tpu.memory_space<vmem_shared>>
          tpu.enqueue_indirect_dma source(%arg12 : memref<80x128xf32, #tpu.memory_space<vmem>>) target(%dma_start3A_136 : memref<10000x128xf32, #tpu.memory_space<vmem_shared>>) offsets(%dma_start3A_133 : memref<80xi32, #tpu.memory_space<vmem>>) semaphore(%run_scoped3A : memref<!tpu.dma_semaphore, #tpu.memory_space<semaphore_mem>>) {add = true}
          %dma_wait3A_137 = tpu.memref_slice %arg9[%mul3A_108] : memref<4000xi32, #tpu.memory_space<vmem>> -> memref<80xi32, #tpu.memory_space<vmem>>
          %dma_wait3A_138 = arith.constant 0 : i32
          %dma_wait3A_139 = arith.constant 0 : i32
          %dma_wait3A_140 = tpu.memref_slice %arg7[%dma_wait3A_138, %dma_wait3A_139] : memref<10000x128xf32, #tpu.memory_space<vmem_shared>> -> memref<10000x128xf32, #tpu.memory_space<vmem_shared>>
          tpu.wait_indirect_dma semaphore(%run_scoped3A : memref<!tpu.dma_semaphore, #tpu.memory_space<semaphore_mem>>) src(%arg12 : memref<80x128xf32, #tpu.memory_space<vmem>>) dst(%dma_wait3A_140 : memref<10000x128xf32, #tpu.memory_space<vmem_shared>>)
          tpu.yield
        }) : () -> ()
        %add3A_109 = arith.constant 4 : i32
        %add3A_110 = arith.addi %add3A_100, %add3A_109 : i32
        %lt3A_111 = arith.constant 50 : i32
        %lt3A_112 = arith.cmpi slt, %add3A_110, %lt3A_111 : i32
        %convert_element_type3A_113 = arith.extui %lt3A_112 : i1 to i32
        %cond3A_114 = arith.constant 0 : i32
        %cond3A_115 = arith.cmpi ne, %convert_element_type3A_113, %cond3A_114 : i32
        scf.if %cond3A_115 {
          %add3A_133 = arith.constant 4 : i32
          %add3A_134 = arith.addi %add3A_100, %add3A_133 : i32
          %mul3A_135 = arith.constant 80 : i32
          %mul3A_136 = arith.muli %add3A_134, %mul3A_135 : i32
          %dma_start3A_137 = tpu.memref_slice %arg8[%mul3A_136] : memref<4000xi32, #tpu.memory_space<vmem>> -> memref<80xi32, #tpu.memory_space<vmem>>
          %dma_start3A_138 = arith.constant 0 : i32
          %dma_start3A_139 = arith.constant 0 : i32
          %dma_start3A_140 = tpu.memref_slice %arg2[%dma_start3A_138, %dma_start3A_139] : memref<20000x128xf32, #tpu.memory_space<hbm>> -> memref<20000x128xf32, #tpu.memory_space<hbm>>
          tpu.enqueue_indirect_dma source(%dma_start3A_140 : memref<20000x128xf32, #tpu.memory_space<hbm>>) target(%arg12 : memref<80x128xf32, #tpu.memory_space<vmem>>) offsets(%dma_start3A_137 : memref<80xi32, #tpu.memory_space<vmem>>) semaphore(%arg16 : memref<!tpu.dma_semaphore, #tpu.memory_space<semaphore_mem>>)
        } else {
        }
        %add3A_116 = arith.constant 3 : i32
        %add3A_117 = arith.addi %mul3A_67, %add3A_116 : i32
        %mul3A_118 = arith.constant 80 : i32
        %mul3A_119 = arith.muli %add3A_117, %mul3A_118 : i32
        %dma_wait3A_120 = tpu.memref_slice %arg8[%mul3A_119] : memref<4000xi32, #tpu.memory_space<vmem>> -> memref<80xi32, #tpu.memory_space<vmem>>
        %dma_wait3A_121 = arith.constant 0 : i32
        %dma_wait3A_122 = arith.constant 0 : i32
        %dma_wait3A_123 = tpu.memref_slice %arg2[%dma_wait3A_121, %dma_wait3A_122] : memref<20000x128xf32, #tpu.memory_space<hbm>> -> memref<20000x128xf32, #tpu.memory_space<hbm>>
        tpu.wait_indirect_dma semaphore(%arg17 : memref<!tpu.dma_semaphore, #tpu.memory_space<semaphore_mem>>) src(%dma_wait3A_123 : memref<20000x128xf32, #tpu.memory_space<hbm>>) dst(%arg13 : memref<80x128xf32, #tpu.memory_space<vmem>>)
        %mul3A_124 = arith.constant 80 : i32
        %mul3A_125 = arith.muli %add3A_117, %mul3A_124 : i32
        "tpu.region"() ({
          %run_scoped3A = tpu.sem_alloc : memref<!tpu.dma_semaphore, #tpu.memory_space<semaphore_mem>>
          %dma_start3A_133 = tpu.memref_slice %arg9[%mul3A_125] : memref<4000xi32, #tpu.memory_space<vmem>> -> memref<80xi32, #tpu.memory_space<vmem>>
          %dma_start3A_134 = arith.constant 0 : i32
          %dma_start3A_135 = arith.constant 0 : i32
          %dma_start3A_136 = tpu.memref_slice %arg7[%dma_start3A_134, %dma_start3A_135] : memref<10000x128xf32, #tpu.memory_space<vmem_shared>> -> memref<10000x128xf32, #tpu.memory_space<vmem_shared>>
          tpu.enqueue_indirect_dma source(%arg13 : memref<80x128xf32, #tpu.memory_space<vmem>>) target(%dma_start3A_136 : memref<10000x128xf32, #tpu.memory_space<vmem_shared>>) offsets(%dma_start3A_133 : memref<80xi32, #tpu.memory_space<vmem>>) semaphore(%run_scoped3A : memref<!tpu.dma_semaphore, #tpu.memory_space<semaphore_mem>>) {add = true}
          %dma_wait3A_137 = tpu.memref_slice %arg9[%mul3A_125] : memref<4000xi32, #tpu.memory_space<vmem>> -> memref<80xi32, #tpu.memory_space<vmem>>
          %dma_wait3A_138 = arith.constant 0 : i32
          %dma_wait3A_139 = arith.constant 0 : i32
          %dma_wait3A_140 = tpu.memref_slice %arg7[%dma_wait3A_138, %dma_wait3A_139] : memref<10000x128xf32, #tpu.memory_space<vmem_shared>> -> memref<10000x128xf32, #tpu.memory_space<vmem_shared>>
          tpu.wait_indirect_dma semaphore(%run_scoped3A : memref<!tpu.dma_semaphore, #tpu.memory_space<semaphore_mem>>) src(%arg13 : memref<80x128xf32, #tpu.memory_space<vmem>>) dst(%dma_wait3A_140 : memref<10000x128xf32, #tpu.memory_space<vmem_shared>>)
          tpu.yield
        }) : () -> ()
        %add3A_126 = arith.constant 4 : i32
        %add3A_127 = arith.addi %add3A_117, %add3A_126 : i32
        %lt3A_128 = arith.constant 50 : i32
        %lt3A_129 = arith.cmpi slt, %add3A_127, %lt3A_128 : i32
        %convert_element_type3A_130 = arith.extui %lt3A_129 : i1 to i32
        %cond3A_131 = arith.constant 0 : i32
        %cond3A_132 = arith.cmpi ne, %convert_element_type3A_130, %cond3A_131 : i32
        scf.if %cond3A_132 {
          %add3A_133 = arith.constant 4 : i32
          %add3A_134 = arith.addi %add3A_117, %add3A_133 : i32
          %mul3A_135 = arith.constant 80 : i32
          %mul3A_136 = arith.muli %add3A_134, %mul3A_135 : i32
          %dma_start3A_137 = tpu.memref_slice %arg8[%mul3A_136] : memref<4000xi32, #tpu.memory_space<vmem>> -> memref<80xi32, #tpu.memory_space<vmem>>
          %dma_start3A_138 = arith.constant 0 : i32
          %dma_start3A_139 = arith.constant 0 : i32
          %dma_start3A_140 = tpu.memref_slice %arg2[%dma_start3A_138, %dma_start3A_139] : memref<20000x128xf32, #tpu.memory_space<hbm>> -> memref<20000x128xf32, #tpu.memory_space<hbm>>
          tpu.enqueue_indirect_dma source(%dma_start3A_140 : memref<20000x128xf32, #tpu.memory_space<hbm>>) target(%arg13 : memref<80x128xf32, #tpu.memory_space<vmem>>) offsets(%dma_start3A_137 : memref<80xi32, #tpu.memory_space<vmem>>) semaphore(%arg17 : memref<!tpu.dma_semaphore, #tpu.memory_space<semaphore_mem>>)
        } else {
        }
      }
      %scan3A_55 = arith.constant 12 : i32
      %dma_wait3A = arith.constant 3840 : i32
      %dma_wait3A_56 = tpu.memref_slice %arg8[%dma_wait3A] : memref<4000xi32, #tpu.memory_space<vmem>> -> memref<80xi32, #tpu.memory_space<vmem>>
      %dma_wait3A_57 = arith.constant 0 : i32
      %dma_wait3A_58 = arith.constant 0 : i32
      %dma_wait3A_59 = tpu.memref_slice %arg2[%dma_wait3A_57, %dma_wait3A_58] : memref<20000x128xf32, #tpu.memory_space<hbm>> -> memref<20000x128xf32, #tpu.memory_space<hbm>>
      tpu.wait_indirect_dma semaphore(%arg14 : memref<!tpu.dma_semaphore, #tpu.memory_space<semaphore_mem>>) src(%dma_wait3A_59 : memref<20000x128xf32, #tpu.memory_space<hbm>>) dst(%arg10 : memref<80x128xf32, #tpu.memory_space<vmem>>)
      "tpu.region"() ({
        %run_scoped3A = tpu.sem_alloc : memref<!tpu.dma_semaphore, #tpu.memory_space<semaphore_mem>>
        %dma_start3A_65 = arith.constant 3840 : i32
        %dma_start3A_66 = tpu.memref_slice %arg9[%dma_start3A_65] : memref<4000xi32, #tpu.memory_space<vmem>> -> memref<80xi32, #tpu.memory_space<vmem>>
        %dma_start3A_67 = arith.constant 0 : i32
        %dma_start3A_68 = arith.constant 0 : i32
        %dma_start3A_69 = tpu.memref_slice %arg7[%dma_start3A_67, %dma_start3A_68] : memref<10000x128xf32, #tpu.memory_space<vmem_shared>> -> memref<10000x128xf32, #tpu.memory_space<vmem_shared>>
        tpu.enqueue_indirect_dma source(%arg10 : memref<80x128xf32, #tpu.memory_space<vmem>>) target(%dma_start3A_69 : memref<10000x128xf32, #tpu.memory_space<vmem_shared>>) offsets(%dma_start3A_66 : memref<80xi32, #tpu.memory_space<vmem>>) semaphore(%run_scoped3A : memref<!tpu.dma_semaphore, #tpu.memory_space<semaphore_mem>>) {add = true}
        %dma_wait3A_70 = arith.constant 3840 : i32
        %dma_wait3A_71 = tpu.memref_slice %arg9[%dma_wait3A_70] : memref<4000xi32, #tpu.memory_space<vmem>> -> memref<80xi32, #tpu.memory_space<vmem>>
        %dma_wait3A_72 = arith.constant 0 : i32
        %dma_wait3A_73 = arith.constant 0 : i32
        %dma_wait3A_74 = tpu.memref_slice %arg7[%dma_wait3A_72, %dma_wait3A_73] : memref<10000x128xf32, #tpu.memory_space<vmem_shared>> -> memref<10000x128xf32, #tpu.memory_space<vmem_shared>>
        tpu.wait_indirect_dma semaphore(%run_scoped3A : memref<!tpu.dma_semaphore, #tpu.memory_space<semaphore_mem>>) src(%arg10 : memref<80x128xf32, #tpu.memory_space<vmem>>) dst(%dma_wait3A_74 : memref<10000x128xf32, #tpu.memory_space<vmem_shared>>)
        tpu.yield
      }) : () -> ()
      %dma_wait3A_60 = arith.constant 3920 : i32
      %dma_wait3A_61 = tpu.memref_slice %arg8[%dma_wait3A_60] : memref<4000xi32, #tpu.memory_space<vmem>> -> memref<80xi32, #tpu.memory_space<vmem>>
      %dma_wait3A_62 = arith.constant 0 : i32
      %dma_wait3A_63 = arith.constant 0 : i32
      %dma_wait3A_64 = tpu.memref_slice %arg2[%dma_wait3A_62, %dma_wait3A_63] : memref<20000x128xf32, #tpu.memory_space<hbm>> -> memref<20000x128xf32, #tpu.memory_space<hbm>>
      tpu.wait_indirect_dma semaphore(%arg15 : memref<!tpu.dma_semaphore, #tpu.memory_space<semaphore_mem>>) src(%dma_wait3A_64 : memref<20000x128xf32, #tpu.memory_space<hbm>>) dst(%arg11 : memref<80x128xf32, #tpu.memory_space<vmem>>)
      "tpu.region"() ({
        %run_scoped3A = tpu.sem_alloc : memref<!tpu.dma_semaphore, #tpu.memory_space<semaphore_mem>>
        %dma_start3A_65 = arith.constant 3920 : i32
        %dma_start3A_66 = tpu.memref_slice %arg9[%dma_start3A_65] : memref<4000xi32, #tpu.memory_space<vmem>> -> memref<80xi32, #tpu.memory_space<vmem>>
        %dma_start3A_67 = arith.constant 0 : i32
        %dma_start3A_68 = arith.constant 0 : i32
        %dma_start3A_69 = tpu.memref_slice %arg7[%dma_start3A_67, %dma_start3A_68] : memref<10000x128xf32, #tpu.memory_space<vmem_shared>> -> memref<10000x128xf32, #tpu.memory_space<vmem_shared>>
        tpu.enqueue_indirect_dma source(%arg11 : memref<80x128xf32, #tpu.memory_space<vmem>>) target(%dma_start3A_69 : memref<10000x128xf32, #tpu.memory_space<vmem_shared>>) offsets(%dma_start3A_66 : memref<80xi32, #tpu.memory_space<vmem>>) semaphore(%run_scoped3A : memref<!tpu.dma_semaphore, #tpu.memory_space<semaphore_mem>>) {add = true}
        %dma_wait3A_70 = arith.constant 3920 : i32
        %dma_wait3A_71 = tpu.memref_slice %arg9[%dma_wait3A_70] : memref<4000xi32, #tpu.memory_space<vmem>> -> memref<80xi32, #tpu.memory_space<vmem>>
        %dma_wait3A_72 = arith.constant 0 : i32
        %dma_wait3A_73 = arith.constant 0 : i32
        %dma_wait3A_74 = tpu.memref_slice %arg7[%dma_wait3A_72, %dma_wait3A_73] : memref<10000x128xf32, #tpu.memory_space<vmem_shared>> -> memref<10000x128xf32, #tpu.memory_space<vmem_shared>>
        tpu.wait_indirect_dma semaphore(%run_scoped3A : memref<!tpu.dma_semaphore, #tpu.memory_space<semaphore_mem>>) src(%arg11 : memref<80x128xf32, #tpu.memory_space<vmem>>) dst(%dma_wait3A_74 : memref<10000x128xf32, #tpu.memory_space<vmem_shared>>)
        tpu.yield
      }) : () -> ()
    }
    %scan3A_5 = arith.constant 5 : i32
    %barrier3A_6 = arith.constant 0 : index
    tpu.barrier barrier_id(%barrier3A_6)
    %mul3A_7 = arith.constant 625 : i32
    %mul3A_8 = arith.muli %arg1, %mul3A_7 : i32
    %mul3A_9 = arith.constant 625 : i32
    %mul3A_10 = arith.muli %arg1, %mul3A_9 : i32
    "tpu.region"() ({
      %run_scoped3A = tpu.sem_alloc : memref<!tpu.dma_semaphore, #tpu.memory_space<semaphore_mem>>
      %dma_start3A = arith.constant 0 : i32
      %dma_start3A_11 = tpu.memref_slice %arg6[%arg0, %mul3A_10, %dma_start3A] : memref<2x10000x128xf32, #tpu.memory_space<hbm>> -> memref<1x625x128xf32, #tpu.memory_space<hbm>>
      %dma_start3A_12 = tpu.memref_squeeze %dma_start3A_11 : memref<1x625x128xf32, #tpu.memory_space<hbm>> -> memref<625x128xf32, #tpu.memory_space<hbm>>
      %dma_start3A_13 = arith.constant 0 : i32
      %dma_start3A_14 = tpu.memref_slice %arg7[%mul3A_8, %dma_start3A_13] : memref<10000x128xf32, #tpu.memory_space<vmem_shared>> -> memref<625x128xf32, #tpu.memory_space<vmem_shared>>
      tpu.enqueue_dma source(%dma_start3A_14 : memref<625x128xf32, #tpu.memory_space<vmem_shared>>) target(%dma_start3A_12 : memref<625x128xf32, #tpu.memory_space<hbm>>) target_semaphore(%run_scoped3A : memref<!tpu.dma_semaphore, #tpu.memory_space<semaphore_mem>>)
      %dma_wait3A = arith.constant 0 : i32
      %dma_wait3A_15 = tpu.memref_slice %arg6[%arg0, %mul3A_10, %dma_wait3A] : memref<2x10000x128xf32, #tpu.memory_space<hbm>> -> memref<1x625x128xf32, #tpu.memory_space<hbm>>
      %dma_wait3A_16 = tpu.memref_squeeze %dma_wait3A_15 : memref<1x625x128xf32, #tpu.memory_space<hbm>> -> memref<625x128xf32, #tpu.memory_space<hbm>>
      %dma_wait3A_17 = arith.constant 0 : i32
      %dma_wait3A_18 = tpu.memref_slice %arg7[%mul3A_8, %dma_wait3A_17] : memref<10000x128xf32, #tpu.memory_space<vmem_shared>> -> memref<625x128xf32, #tpu.memory_space<vmem_shared>>
      tpu.wait_dma2 semaphore(%run_scoped3A : memref<!tpu.dma_semaphore, #tpu.memory_space<semaphore_mem>>) src(%dma_wait3A_18 : memref<625x128xf32, #tpu.memory_space<vmem_shared>>) dst(%dma_wait3A_16 : memref<625x128xf32, #tpu.memory_space<hbm>>)
      tpu.yield
    }) : () -> ()
    return
  }
}

module attributes {stable_mosaic.version = 14 : i64} {
  func.func @_tc_body(%arg0: i32, %arg1: memref<2x2000x128xf32, #tpu.memory_space<vmem>>, %arg2: memref<2000x128xf32, #tpu.memory_space<vmem>>, %arg3: memref<1x256xf32, #tpu.memory_space<vmem>>, %arg4: memref<1x256xf32, #tpu.memory_space<vmem>>, %arg5: memref<1x256xf32, #tpu.memory_space<vmem>>, %arg6: memref<256x256xf32, #tpu.memory_space<vmem>>, %arg7: memref<1x256xf32, #tpu.memory_space<vmem>>, %arg8: memref<128x256xf32, #tpu.memory_space<vmem>>, %arg9: memref<1x256xf32, #tpu.memory_space<vmem>>, %arg10: memref<1x256xf32, #tpu.memory_space<vmem>>, %arg11: memref<1x256xf32, #tpu.memory_space<vmem>>, %arg12: memref<256x256xf32, #tpu.memory_space<vmem>>, %arg13: memref<1x256xf32, #tpu.memory_space<vmem>>, %arg14: memref<256x256xf32, #tpu.memory_space<vmem>>, %arg15: memref<1x256xf32, #tpu.memory_space<vmem>>, %arg16: memref<256x256xf32, #tpu.memory_space<vmem>>, %arg17: memref<1x256xf32, #tpu.memory_space<vmem>>, %arg18: memref<256x256xf32, #tpu.memory_space<vmem>>, %arg19: memref<1x256xf32, #tpu.memory_space<vmem>>, %arg20: memref<1x256xf32, #tpu.memory_space<vmem>>, %arg21: memref<1x256xf32, #tpu.memory_space<vmem>>, %arg22: memref<256x64xf32, #tpu.memory_space<vmem>>, %arg23: memref<1x64xf32, #tpu.memory_space<vmem>>, %arg24: memref<2000x64xf32, #tpu.memory_space<vmem>>) attributes {dimension_semantics = [#tpu.dimension_semantics<arbitrary>], iteration_bounds = array<i64: 5>, scalar_prefetch = 0 : i64, scratch_operands = 0 : i64, tpu.core_type = #tpu.core_type<tc>, window_params = [{transform_indices = @transform_0, window_bounds = array<i64: 2, 2000, 128>}, {transform_indices = @transform_1, window_bounds = array<i64: 2000, 128>}, {pipeline_mode = #tpu.pipeline_mode<synchronous>, transform_indices = @transform_2, window_bounds = array<i64: 1, 256>}, {pipeline_mode = #tpu.pipeline_mode<synchronous>, transform_indices = @transform_3, window_bounds = array<i64: 1, 256>}, {pipeline_mode = #tpu.pipeline_mode<synchronous>, transform_indices = @transform_4, window_bounds = array<i64: 1, 256>}, {pipeline_mode = #tpu.pipeline_mode<synchronous>, transform_indices = @transform_5, window_bounds = array<i64: 256, 256>}, {pipeline_mode = #tpu.pipeline_mode<synchronous>, transform_indices = @transform_6, window_bounds = array<i64: 1, 256>}, {pipeline_mode = #tpu.pipeline_mode<synchronous>, transform_indices = @transform_7, window_bounds = array<i64: 128, 256>}, {pipeline_mode = #tpu.pipeline_mode<synchronous>, transform_indices = @transform_8, window_bounds = array<i64: 1, 256>}, {pipeline_mode = #tpu.pipeline_mode<synchronous>, transform_indices = @transform_9, window_bounds = array<i64: 1, 256>}, {pipeline_mode = #tpu.pipeline_mode<synchronous>, transform_indices = @transform_10, window_bounds = array<i64: 1, 256>}, {pipeline_mode = #tpu.pipeline_mode<synchronous>, transform_indices = @transform_11, window_bounds = array<i64: 256, 256>}, {pipeline_mode = #tpu.pipeline_mode<synchronous>, transform_indices = @transform_12, window_bounds = array<i64: 1, 256>}, {pipeline_mode = #tpu.pipeline_mode<synchronous>, transform_indices = @transform_13, window_bounds = array<i64: 256, 256>}, {pipeline_mode = #tpu.pipeline_mode<synchronous>, transform_indices = @transform_14, window_bounds = array<i64: 1, 256>}, {pipeline_mode = #tpu.pipeline_mode<synchronous>, transform_indices = @transform_15, window_bounds = array<i64: 256, 256>}, {pipeline_mode = #tpu.pipeline_mode<synchronous>, transform_indices = @transform_16, window_bounds = array<i64: 1, 256>}, {pipeline_mode = #tpu.pipeline_mode<synchronous>, transform_indices = @transform_17, window_bounds = array<i64: 256, 256>}, {pipeline_mode = #tpu.pipeline_mode<synchronous>, transform_indices = @transform_18, window_bounds = array<i64: 1, 256>}, {pipeline_mode = #tpu.pipeline_mode<synchronous>, transform_indices = @transform_19, window_bounds = array<i64: 1, 256>}, {pipeline_mode = #tpu.pipeline_mode<synchronous>, transform_indices = @transform_20, window_bounds = array<i64: 1, 256>}, {pipeline_mode = #tpu.pipeline_mode<synchronous>, transform_indices = @transform_21, window_bounds = array<i64: 256, 64>}, {pipeline_mode = #tpu.pipeline_mode<synchronous>, transform_indices = @transform_22, window_bounds = array<i64: 1, 64>}, {transform_indices = @transform_23, window_bounds = array<i64: 2000, 64>}]} {
    %sqrt3A = arith.constant 1.000010e+00 : f32
    %sqrt3A_0 = math.sqrt %sqrt3A : f32
    %div3A = arith.constant 1.000000e+00 : f32
    %div3A_1 = arith.divf %div3A, %sqrt3A_0 : f32
    %get3A = arith.constant 0 : index
    %get3A_2 = arith.constant 0 : index
    %get3A_3 = arith.constant 0 : index
    %get3A_4 = vector.load %arg1[%get3A, %get3A_2, %get3A_3] : memref<2x2000x128xf32, #tpu.memory_space<vmem>>, vector<1x2000x128xf32>
    %get3A_5 = vector.shape_cast %get3A_4 : vector<1x2000x128xf32> to vector<2000x128xf32>
    %get3A_6 = arith.constant 1 : index
    %get3A_7 = arith.constant 0 : index
    %get3A_8 = arith.constant 0 : index
    %get3A_9 = vector.load %arg1[%get3A_6, %get3A_7, %get3A_8] : memref<2x2000x128xf32, #tpu.memory_space<vmem>>, vector<1x2000x128xf32>
    %get3A_10 = vector.shape_cast %get3A_9 : vector<1x2000x128xf32> to vector<2000x128xf32>
    %concatenate3A = tpu.concatenate %get3A_5, %get3A_10 in 1 : vector<2000x128xf32>, vector<2000x128xf32> -> vector<2000x256xf32>
    %get3A_11 = arith.constant 0 : index
    %get3A_12 = arith.constant 0 : index
    %get3A_13 = vector.load %arg3[%get3A_11, %get3A_12] : memref<1x256xf32, #tpu.memory_space<vmem>>, vector<1x256xf32>
    %add3A = vector.broadcast %get3A_13 : vector<1x256xf32> to vector<2000x256xf32>
    %add3A_14 = arith.addf %concatenate3A, %add3A : vector<2000x256xf32>
    %max3A = arith.constant 0.000000e+00 : f32
    %max3A_15 = vector.broadcast %max3A : f32 to vector<2000x256xf32>
    %max3A_16 = arith.maximumf %add3A_14, %max3A_15 : vector<2000x256xf32>
    %get3A_17 = arith.constant 0 : index
    %get3A_18 = arith.constant 0 : index
    %get3A_19 = vector.load %arg4[%get3A_17, %get3A_18] : memref<1x256xf32, #tpu.memory_space<vmem>>, vector<1x256xf32>
    %mul3A = vector.broadcast %div3A_1 : f32 to vector<1x256xf32>
    %mul3A_20 = arith.mulf %mul3A, %get3A_19 : vector<1x256xf32>
    %mul3A_21 = vector.broadcast %mul3A_20 : vector<1x256xf32> to vector<2000x256xf32>
    %mul3A_22 = arith.mulf %max3A_16, %mul3A_21 : vector<2000x256xf32>
    %get3A_23 = arith.constant 0 : index
    %get3A_24 = arith.constant 0 : index
    %get3A_25 = vector.load %arg5[%get3A_23, %get3A_24] : memref<1x256xf32, #tpu.memory_space<vmem>>, vector<1x256xf32>
    %add3A_26 = vector.broadcast %get3A_25 : vector<1x256xf32> to vector<2000x256xf32>
    %add3A_27 = arith.addf %mul3A_22, %add3A_26 : vector<2000x256xf32>
    %get3A_28 = arith.constant 0 : index
    %get3A_29 = arith.constant 0 : index
    %get3A_30 = vector.load %arg6[%get3A_28, %get3A_29] : memref<256x256xf32, #tpu.memory_space<vmem>>, vector<256x256xf32>
    %dot_general3A = arith.constant dense<0.000000e+00> : vector<2000x256xf32>
    %dot_general3A_31 = tpu.matmul %add3A_27, %get3A_30, %dot_general3A {dimension_numbers = #tpu.dot_dimension_numbers<[1], [0], [0], [1], [0, 0, 1, 1], [], []>, transpose_lhs_hint = false} : vector<2000x256xf32>, vector<256x256xf32>, vector<2000x256xf32> -> vector<2000x256xf32>
    %get3A_32 = arith.constant 0 : index
    %get3A_33 = arith.constant 0 : index
    %get3A_34 = vector.load %arg7[%get3A_32, %get3A_33] : memref<1x256xf32, #tpu.memory_space<vmem>>, vector<1x256xf32>
    %add3A_35 = vector.broadcast %get3A_34 : vector<1x256xf32> to vector<2000x256xf32>
    %add3A_36 = arith.addf %dot_general3A_31, %add3A_35 : vector<2000x256xf32>
    %get3A_37 = arith.constant 0 : index
    %get3A_38 = arith.constant 0 : index
    %get3A_39 = vector.load %arg14[%get3A_37, %get3A_38] : memref<256x256xf32, #tpu.memory_space<vmem>>, vector<256x256xf32>
    %dot_general3A_40 = arith.constant dense<0.000000e+00> : vector<2000x256xf32>
    %dot_general3A_41 = tpu.matmul %add3A_36, %get3A_39, %dot_general3A_40 {dimension_numbers = #tpu.dot_dimension_numbers<[1], [0], [0], [1], [0, 0, 1, 1], [], []>, transpose_lhs_hint = false} : vector<2000x256xf32>, vector<256x256xf32>, vector<2000x256xf32> -> vector<2000x256xf32>
    %add3A_42 = arith.addf %add3A_36, %dot_general3A_41 : vector<2000x256xf32>
    %get3A_43 = arith.constant 0 : index
    %get3A_44 = arith.constant 0 : index
    %get3A_45 = vector.load %arg15[%get3A_43, %get3A_44] : memref<1x256xf32, #tpu.memory_space<vmem>>, vector<1x256xf32>
    %add3A_46 = vector.broadcast %get3A_45 : vector<1x256xf32> to vector<2000x256xf32>
    %add3A_47 = arith.addf %add3A_42, %add3A_46 : vector<2000x256xf32>
    %get3A_48 = arith.constant 0 : index
    %get3A_49 = arith.constant 0 : index
    %get3A_50 = vector.load %arg2[%get3A_48, %get3A_49] : memref<2000x128xf32, #tpu.memory_space<vmem>>, vector<2000x128xf32>
    %get3A_51 = arith.constant 0 : index
    %get3A_52 = arith.constant 0 : index
    %get3A_53 = vector.load %arg8[%get3A_51, %get3A_52] : memref<128x256xf32, #tpu.memory_space<vmem>>, vector<128x256xf32>
    %dot_general3A_54 = arith.constant dense<0.000000e+00> : vector<2000x256xf32>
    %dot_general3A_55 = tpu.matmul %get3A_50, %get3A_53, %dot_general3A_54 {dimension_numbers = #tpu.dot_dimension_numbers<[1], [0], [0], [1], [0, 0, 1, 1], [], []>, transpose_lhs_hint = false} : vector<2000x128xf32>, vector<128x256xf32>, vector<2000x256xf32> -> vector<2000x256xf32>
    %get3A_56 = arith.constant 0 : index
    %get3A_57 = arith.constant 0 : index
    %get3A_58 = vector.load %arg9[%get3A_56, %get3A_57] : memref<1x256xf32, #tpu.memory_space<vmem>>, vector<1x256xf32>
    %add3A_59 = vector.broadcast %get3A_58 : vector<1x256xf32> to vector<2000x256xf32>
    %add3A_60 = arith.addf %dot_general3A_55, %add3A_59 : vector<2000x256xf32>
    %max3A_61 = arith.constant 0.000000e+00 : f32
    %max3A_62 = vector.broadcast %max3A_61 : f32 to vector<2000x256xf32>
    %max3A_63 = arith.maximumf %add3A_60, %max3A_62 : vector<2000x256xf32>
    %get3A_64 = arith.constant 0 : index
    %get3A_65 = arith.constant 0 : index
    %get3A_66 = vector.load %arg10[%get3A_64, %get3A_65] : memref<1x256xf32, #tpu.memory_space<vmem>>, vector<1x256xf32>
    %mul3A_67 = vector.broadcast %div3A_1 : f32 to vector<1x256xf32>
    %mul3A_68 = arith.mulf %mul3A_67, %get3A_66 : vector<1x256xf32>
    %mul3A_69 = vector.broadcast %mul3A_68 : vector<1x256xf32> to vector<2000x256xf32>
    %mul3A_70 = arith.mulf %max3A_63, %mul3A_69 : vector<2000x256xf32>
    %get3A_71 = arith.constant 0 : index
    %get3A_72 = arith.constant 0 : index
    %get3A_73 = vector.load %arg11[%get3A_71, %get3A_72] : memref<1x256xf32, #tpu.memory_space<vmem>>, vector<1x256xf32>
    %add3A_74 = vector.broadcast %get3A_73 : vector<1x256xf32> to vector<2000x256xf32>
    %add3A_75 = arith.addf %mul3A_70, %add3A_74 : vector<2000x256xf32>
    %get3A_76 = arith.constant 0 : index
    %get3A_77 = arith.constant 0 : index
    %get3A_78 = vector.load %arg12[%get3A_76, %get3A_77] : memref<256x256xf32, #tpu.memory_space<vmem>>, vector<256x256xf32>
    %dot_general3A_79 = arith.constant dense<0.000000e+00> : vector<2000x256xf32>
    %dot_general3A_80 = tpu.matmul %add3A_75, %get3A_78, %dot_general3A_79 {dimension_numbers = #tpu.dot_dimension_numbers<[1], [0], [0], [1], [0, 0, 1, 1], [], []>, transpose_lhs_hint = false} : vector<2000x256xf32>, vector<256x256xf32>, vector<2000x256xf32> -> vector<2000x256xf32>
    %get3A_81 = arith.constant 0 : index
    %get3A_82 = arith.constant 0 : index
    %get3A_83 = vector.load %arg13[%get3A_81, %get3A_82] : memref<1x256xf32, #tpu.memory_space<vmem>>, vector<1x256xf32>
    %add3A_84 = vector.broadcast %get3A_83 : vector<1x256xf32> to vector<2000x256xf32>
    %add3A_85 = arith.addf %dot_general3A_80, %add3A_84 : vector<2000x256xf32>
    %add3A_86 = arith.addf %add3A_47, %add3A_85 : vector<2000x256xf32>
    %get3A_87 = arith.constant 0 : index
    %get3A_88 = arith.constant 0 : index
    %get3A_89 = vector.load %arg16[%get3A_87, %get3A_88] : memref<256x256xf32, #tpu.memory_space<vmem>>, vector<256x256xf32>
    %dot_general3A_90 = arith.constant dense<0.000000e+00> : vector<2000x256xf32>
    %dot_general3A_91 = tpu.matmul %add3A_85, %get3A_89, %dot_general3A_90 {dimension_numbers = #tpu.dot_dimension_numbers<[1], [0], [0], [1], [0, 0, 1, 1], [], []>, transpose_lhs_hint = false} : vector<2000x256xf32>, vector<256x256xf32>, vector<2000x256xf32> -> vector<2000x256xf32>
    %add3A_92 = arith.addf %add3A_86, %dot_general3A_91 : vector<2000x256xf32>
    %get3A_93 = arith.constant 0 : index
    %get3A_94 = arith.constant 0 : index
    %get3A_95 = vector.load %arg17[%get3A_93, %get3A_94] : memref<1x256xf32, #tpu.memory_space<vmem>>, vector<1x256xf32>
    %add3A_96 = vector.broadcast %get3A_95 : vector<1x256xf32> to vector<2000x256xf32>
    %add3A_97 = arith.addf %add3A_92, %add3A_96 : vector<2000x256xf32>
    %max3A_98 = arith.constant 0.000000e+00 : f32
    %max3A_99 = vector.broadcast %max3A_98 : f32 to vector<2000x256xf32>
    %max3A_100 = arith.maximumf %add3A_97, %max3A_99 : vector<2000x256xf32>
    %get3A_101 = arith.constant 0 : index
    %get3A_102 = arith.constant 0 : index
    %get3A_103 = vector.load %arg18[%get3A_101, %get3A_102] : memref<256x256xf32, #tpu.memory_space<vmem>>, vector<256x256xf32>
    %dot_general3A_104 = arith.constant dense<0.000000e+00> : vector<2000x256xf32>
    %dot_general3A_105 = tpu.matmul %max3A_100, %get3A_103, %dot_general3A_104 {dimension_numbers = #tpu.dot_dimension_numbers<[1], [0], [0], [1], [0, 0, 1, 1], [], []>, transpose_lhs_hint = false} : vector<2000x256xf32>, vector<256x256xf32>, vector<2000x256xf32> -> vector<2000x256xf32>
    %get3A_106 = arith.constant 0 : index
    %get3A_107 = arith.constant 0 : index
    %get3A_108 = vector.load %arg19[%get3A_106, %get3A_107] : memref<1x256xf32, #tpu.memory_space<vmem>>, vector<1x256xf32>
    %add3A_109 = vector.broadcast %get3A_108 : vector<1x256xf32> to vector<2000x256xf32>
    %add3A_110 = arith.addf %dot_general3A_105, %add3A_109 : vector<2000x256xf32>
    %max3A_111 = arith.constant 0.000000e+00 : f32
    %max3A_112 = vector.broadcast %max3A_111 : f32 to vector<2000x256xf32>
    %max3A_113 = arith.maximumf %add3A_110, %max3A_112 : vector<2000x256xf32>
    %get3A_114 = arith.constant 0 : index
    %get3A_115 = arith.constant 0 : index
    %get3A_116 = vector.load %arg20[%get3A_114, %get3A_115] : memref<1x256xf32, #tpu.memory_space<vmem>>, vector<1x256xf32>
    %mul3A_117 = vector.broadcast %div3A_1 : f32 to vector<1x256xf32>
    %mul3A_118 = arith.mulf %mul3A_117, %get3A_116 : vector<1x256xf32>
    %mul3A_119 = vector.broadcast %mul3A_118 : vector<1x256xf32> to vector<2000x256xf32>
    %mul3A_120 = arith.mulf %max3A_113, %mul3A_119 : vector<2000x256xf32>
    %get3A_121 = arith.constant 0 : index
    %get3A_122 = arith.constant 0 : index
    %get3A_123 = vector.load %arg21[%get3A_121, %get3A_122] : memref<1x256xf32, #tpu.memory_space<vmem>>, vector<1x256xf32>
    %add3A_124 = vector.broadcast %get3A_123 : vector<1x256xf32> to vector<2000x256xf32>
    %add3A_125 = arith.addf %mul3A_120, %add3A_124 : vector<2000x256xf32>
    %get3A_126 = arith.constant 0 : index
    %get3A_127 = arith.constant 0 : index
    %get3A_128 = vector.load %arg22[%get3A_126, %get3A_127] : memref<256x64xf32, #tpu.memory_space<vmem>>, vector<256x64xf32>
    %dot_general3A_129 = arith.constant dense<0.000000e+00> : vector<2000x64xf32>
    %dot_general3A_130 = tpu.matmul %add3A_125, %get3A_128, %dot_general3A_129 {dimension_numbers = #tpu.dot_dimension_numbers<[1], [0], [0], [1], [0, 0, 1, 1], [], []>, transpose_lhs_hint = false} : vector<2000x256xf32>, vector<256x64xf32>, vector<2000x64xf32> -> vector<2000x64xf32>
    %get3A_131 = arith.constant 0 : index
    %get3A_132 = arith.constant 0 : index
    %get3A_133 = vector.load %arg23[%get3A_131, %get3A_132] : memref<1x64xf32, #tpu.memory_space<vmem>>, vector<1x64xf32>
    %add3A_134 = vector.broadcast %get3A_133 : vector<1x64xf32> to vector<2000x64xf32>
    %add3A_135 = arith.addf %dot_general3A_130, %add3A_134 : vector<2000x64xf32>
    %swap3A = arith.constant 0 : index
    %swap3A_136 = arith.constant 0 : index
    %swap3A_137 = vector.load %arg24[%swap3A, %swap3A_136] : memref<2000x64xf32, #tpu.memory_space<vmem>>, vector<2000x64xf32>
    tpu.vector_store %arg24[%swap3A, %swap3A_136], %add3A_135 {strides = array<i32>} : memref<2000x64xf32, #tpu.memory_space<vmem>>, vector<2000x64xf32>,
    return
  }
  func.func @transform_0(%arg0: i32) -> (i32, i32, i32) {
    %c0_i32 = arith.constant 0 : i32
    %c0_i32_0 = arith.constant 0 : i32
    %c0_i32_1 = arith.constant 0 : i32
    return %c0_i32, %arg0, %c0_i32_0 : i32, i32, i32
  }
  func.func @transform_1(%arg0: i32) -> (i32, i32) {
    %c0_i32 = arith.constant 0 : i32
    %c0_i32_0 = arith.constant 0 : i32
    return %arg0, %c0_i32 : i32, i32
  }
  func.func @transform_2(%arg0: i32) -> (i32, i32) {
    %c0_i32 = arith.constant 0 : i32
    %c0_i32_0 = arith.constant 0 : i32
    %c0_i32_1 = arith.constant 0 : i32
    return %c0_i32, %c0_i32_0 : i32, i32
  }
  func.func @transform_3(%arg0: i32) -> (i32, i32) {
    %c0_i32 = arith.constant 0 : i32
    %c0_i32_0 = arith.constant 0 : i32
    %c0_i32_1 = arith.constant 0 : i32
    return %c0_i32, %c0_i32_0 : i32, i32
  }
  func.func @transform_4(%arg0: i32) -> (i32, i32) {
    %c0_i32 = arith.constant 0 : i32
    %c0_i32_0 = arith.constant 0 : i32
    %c0_i32_1 = arith.constant 0 : i32
    return %c0_i32, %c0_i32_0 : i32, i32
  }
  func.func @transform_5(%arg0: i32) -> (i32, i32) {
    %c0_i32 = arith.constant 0 : i32
    %c0_i32_0 = arith.constant 0 : i32
    %c0_i32_1 = arith.constant 0 : i32
    return %c0_i32, %c0_i32_0 : i32, i32
  }
  func.func @transform_6(%arg0: i32) -> (i32, i32) {
    %c0_i32 = arith.constant 0 : i32
    %c0_i32_0 = arith.constant 0 : i32
    %c0_i32_1 = arith.constant 0 : i32
    return %c0_i32, %c0_i32_0 : i32, i32
  }
  func.func @transform_7(%arg0: i32) -> (i32, i32) {
    %c0_i32 = arith.constant 0 : i32
    %c0_i32_0 = arith.constant 0 : i32
    %c0_i32_1 = arith.constant 0 : i32
    return %c0_i32, %c0_i32_0 : i32, i32
  }
  func.func @transform_8(%arg0: i32) -> (i32, i32) {
    %c0_i32 = arith.constant 0 : i32
    %c0_i32_0 = arith.constant 0 : i32
    %c0_i32_1 = arith.constant 0 : i32
    return %c0_i32, %c0_i32_0 : i32, i32
  }
  func.func @transform_9(%arg0: i32) -> (i32, i32) {
    %c0_i32 = arith.constant 0 : i32
    %c0_i32_0 = arith.constant 0 : i32
    %c0_i32_1 = arith.constant 0 : i32
    return %c0_i32, %c0_i32_0 : i32, i32
  }
  func.func @transform_10(%arg0: i32) -> (i32, i32) {
    %c0_i32 = arith.constant 0 : i32
    %c0_i32_0 = arith.constant 0 : i32
    %c0_i32_1 = arith.constant 0 : i32
    return %c0_i32, %c0_i32_0 : i32, i32
  }
  func.func @transform_11(%arg0: i32) -> (i32, i32) {
    %c0_i32 = arith.constant 0 : i32
    %c0_i32_0 = arith.constant 0 : i32
    %c0_i32_1 = arith.constant 0 : i32
    return %c0_i32, %c0_i32_0 : i32, i32
  }
  func.func @transform_12(%arg0: i32) -> (i32, i32) {
    %c0_i32 = arith.constant 0 : i32
    %c0_i32_0 = arith.constant 0 : i32
    %c0_i32_1 = arith.constant 0 : i32
    return %c0_i32, %c0_i32_0 : i32, i32
  }
  func.func @transform_13(%arg0: i32) -> (i32, i32) {
    %c0_i32 = arith.constant 0 : i32
    %c0_i32_0 = arith.constant 0 : i32
    %c0_i32_1 = arith.constant 0 : i32
    return %c0_i32, %c0_i32_0 : i32, i32
  }
  func.func @transform_14(%arg0: i32) -> (i32, i32) {
    %c0_i32 = arith.constant 0 : i32
    %c0_i32_0 = arith.constant 0 : i32
    %c0_i32_1 = arith.constant 0 : i32
    return %c0_i32, %c0_i32_0 : i32, i32
  }
  func.func @transform_15(%arg0: i32) -> (i32, i32) {
    %c0_i32 = arith.constant 0 : i32
    %c0_i32_0 = arith.constant 0 : i32
    %c0_i32_1 = arith.constant 0 : i32
    return %c0_i32, %c0_i32_0 : i32, i32
  }
  func.func @transform_16(%arg0: i32) -> (i32, i32) {
    %c0_i32 = arith.constant 0 : i32
    %c0_i32_0 = arith.constant 0 : i32
    %c0_i32_1 = arith.constant 0 : i32
    return %c0_i32, %c0_i32_0 : i32, i32
  }
  func.func @transform_17(%arg0: i32) -> (i32, i32) {
    %c0_i32 = arith.constant 0 : i32
    %c0_i32_0 = arith.constant 0 : i32
    %c0_i32_1 = arith.constant 0 : i32
    return %c0_i32, %c0_i32_0 : i32, i32
  }
  func.func @transform_18(%arg0: i32) -> (i32, i32) {
    %c0_i32 = arith.constant 0 : i32
    %c0_i32_0 = arith.constant 0 : i32
    %c0_i32_1 = arith.constant 0 : i32
    return %c0_i32, %c0_i32_0 : i32, i32
  }
  func.func @transform_19(%arg0: i32) -> (i32, i32) {
    %c0_i32 = arith.constant 0 : i32
    %c0_i32_0 = arith.constant 0 : i32
    %c0_i32_1 = arith.constant 0 : i32
    return %c0_i32, %c0_i32_0 : i32, i32
  }
  func.func @transform_20(%arg0: i32) -> (i32, i32) {
    %c0_i32 = arith.constant 0 : i32
    %c0_i32_0 = arith.constant 0 : i32
    %c0_i32_1 = arith.constant 0 : i32
    return %c0_i32, %c0_i32_0 : i32, i32
  }
  func.func @transform_21(%arg0: i32) -> (i32, i32) {
    %c0_i32 = arith.constant 0 : i32
    %c0_i32_0 = arith.constant 0 : i32
    %c0_i32_1 = arith.constant 0 : i32
    return %c0_i32, %c0_i32_0 : i32, i32
  }
  func.func @transform_22(%arg0: i32) -> (i32, i32) {
    %c0_i32 = arith.constant 0 : i32
    %c0_i32_0 = arith.constant 0 : i32
    %c0_i32_1 = arith.constant 0 : i32
    return %c0_i32, %c0_i32_0 : i32, i32
  }
  func.func @transform_23(%arg0: i32) -> (i32, i32) {
    %c0_i32 = arith.constant 0 : i32
    %c0_i32_0 = arith.constant 0 : i32
    return %arg0, %c0_i32 : i32, i32
  }
}

</mosaic_0001>

<sc_bundles>
// kernel: kernel.4.cloned.1.call-start
scs
__scs_entry_jumppad:
0x0: {  	(pc) =	sbr.rel $0x88, $3  }
0x1: {  	(tag) =	ssettag $0x0;
	lr =	simm.s32 $0x1  }
0x2: {  	[smem:$0x3F89] =	sst lr;
	_ =	strace $0xD0000000  }
0x3: {  	_ = 	snop  }
0x4: {  	_ = 	snop  }
0x5: {  	_ = 	snop  }
0x6: {  	_ = 	snop  }
0x7: {  	_ = 	snop  }
__scs_overlays_trampoline_lowered:
0x8: {  	[smem:$0x3F98] =	sst s0  }
0x9: {  	[smem:$0x3F99] =	sst s1  }
0xa: {  	[smem:$0x3F9A] =	sst s2  }
0xb: {  	[smem:$0x3F9B] =	sst s3  }
0xc: {  	[smem:$0x3F9C] =	sst s4  }
0xd: {  	[smem:$0x3F9D] =	sst s5  }
0xe: {  	[smem:$0x3F9E] =	sst s6  }
0xf: {  	[smem:$0x3F9F] =	sst s7  }
0x10: {  	[smem:$0x3FA0] =	sst s8  }
0x11: {  	[smem:$0x3FA1] =	sst s9;
	s0 =	simm.s32 @!p0 $0x0  }
0x12: {  	s1 =	sld [smem:$0x3F87];
	s0 =	simm.s32 @p0 $0x1  }
0x13: {  	[smem:$0x3FA2] =	sst s0;
	s0 =	simm.s32 @!p1 $0x0  }
0x14: {  	s2 =	sld [smem:$0x3F86];
	s0 =	simm.s32 @p1 $0x1  }
0x15: {  	[smem:$0x3FA3] =	sst s0;
	s0 =	simm.s32 @!p2 $0x0  }
0x16: {  	s3 =	sld [smem:$0x3FDB];
	s0 =	simm.s32 @p2 $0x1  }
0x17: {  	s4 =	simm.s32 $0x1BF5;
	[smem:$0x3FA5] =	sst s0  }
0x18: {  	s0 =	sld [smem:$0x3F88];
	_ =	swait.ge [sflag:s4], $0x0  }
0x19: {  	s7 =	sld [smem:$0x3F89]  }
0x1a: {  	s8 =	sadd.s32 $0xFFFFE003, lr  }
0x1b: {  	s9 =	sadd.s32 $0xFFFFFEF7, lr;
	s5 =	simm.s32 $0xFFFFFFFF;
	p2 =	slt.u32 s8, $0xFFFFF086  }
0x1c: {  	p1 =	slt.u32 s9, $0xF7A;
	s5 =	simm.s32 @!p2 $0x0  }
0x1d: {  	s5 =	simm.s32 @p1 $0x1;
	p0 =	seq.s32 s7, s2  }
0x1e: {  	s7 =	smul.u32 @!p0 $0xF7A, s2;
	p2 =	seq.s32 @!p0 s5, $0x0  }
0x1f: {  	s9 =	smul.u32 $0xF7A, s1;
	s8 =	simm.s32 @!p0 $0x1BF5;
	p2 =	por !p2, p0  }
0x20: {  	[sflag:s8] =	ssyncset.s32 @!p0 $0xFFFFF086;
	s6 =	sadd.s32 @!p0 s3, s7;
	s7 =	simm.s32 @!p0 $0x108  }
0x21: {  	s3 =	sadd.s32 s3, s9;
	s6 =	sadd.s32 @!p0 $0x88, s6;
	s7 =	simm.s32 @p2 $0x1082  }
0x22: {  	[simem:s7], [sflag:s8] =	dma.local @!p0 [hbm:s6], $0xF7A  }
0x23: {  	s9 =	sor.u32 $0xD0000000, s2;
	s6 =	simm.s32 $0x108;
	_ =	swait.ge @!p0 [sflag:s8], $0x0  }
0x24: {  	s3 =	sadd.s32 $0x88, s3;
	s6 =	simm.s32 @!p1 $0x1082;
	[sflag:s4] =	ssyncset.s32 $0xFFFFF086  }
0x25: {  	[simem:s6], [sflag:s4] =	dma.local [hbm:s3], $0xF7A  }
0x26: {  	[smem:$0x3F89] =	sst s1;
	(tag) =	ssettag s2;
	_ =	strace s9  }
0x27: {  	s1 =	sld [smem:$0x3F99]  }
0x28: {  	s2 =	sld [smem:$0x3F9A]  }
0x29: {  	s4 =	sld [smem:$0x3F9C]  }
0x2a: {  	p0 =	seq.s32 s5, $0x0;
	s5 =	sld [smem:$0x3F9D]  }
0x2b: {  	s6 =	sld [smem:$0x3F9E]  }
0x2c: {  	s7 =	sld [smem:$0x3F9F]  }
0x2d: {  	s3 =	simm.s32 $0x108;
	s8 =	sld [smem:$0x3FA0]  }
0x2e: {  	s3 =	simm.s32 @!p0 $0x1082;
	s9 =	sld [smem:$0x3FA1]  }
0x2f: {  	lr =	sadd.s32 s0, s3;
	s0 =	sld [smem:$0x3F98]  }
0x30: {  	s3 =	sld [smem:$0x3F9B]  }
0x31: {  	[smem:$0x3FA4] =	sst s10  }
0x32: {  	s10 =	sld [smem:$0x3FA2];
	_ =	sdelay $0x3  }
0x33: {  	p0 =	seq.s32 s10, $0x1;
	s10 =	sld [smem:$0x3FA4];
	_ =	sdelay $0x3  }
0x34: {  	[smem:$0x3FA4] =	sst s10  }
0x35: {  	s10 =	sld [smem:$0x3FA3];
	_ =	sdelay $0x3  }
0x36: {  	p1 =	seq.s32 s10, $0x1;
	s10 =	sld [smem:$0x3FA4];
	_ =	sdelay $0x3  }
0x37: {  	[smem:$0x3FA4] =	sst s10  }
0x38: {  	s10 =	sld [smem:$0x3FA5]  }
0x39: {  	_ = 	snop;
	(pc) =	sbr.ind lr, $3  }
0x3a: {  	_ = 	snop  }
0x3b: {  	_ = 	snop  }
0x3c: {  	p2 =	seq.s32 s10, $0x1;
	s10 =	sld [smem:$0x3FA4]  }
0x3d: {  	_ =	shalt  }
0x3e: {  	_ =	shalt  }
0x3f: {  	_ =	shalt  }
0x40: {  	_ =	shalt  }
0x41: {  	_ =	shalt  }
0x42: {  	_ =	shalt  }
0x43: {  	_ =	shalt  }
0x44: {  	_ =	shalt  }
0x45: {  	_ =	shalt  }
0x46: {  	_ =	shalt  }
0x47: {  	_ =	shalt  }
0x48: {  	_ =	shalt  }
0x49: {  	_ =	shalt  }
0x4a: {  	_ =	shalt  }
0x4b: {  	_ =	shalt  }
0x4c: {  	_ =	shalt  }
0x4d: {  	_ =	shalt  }
0x4e: {  	_ =	shalt  }
0x4f: {  	_ =	shalt  }
0x50: {  	_ =	shalt  }
0x51: {  	_ =	shalt  }
0x52: {  	_ =	shalt  }
0x53: {  	_ =	shalt  }
0x54: {  	_ =	shalt  }
0x55: {  	_ =	shalt  }
0x56: {  	_ =	shalt  }
0x57: {  	_ =	shalt  }
0x58: {  	_ =	shalt  }
0x59: {  	_ =	shalt  }
0x5a: {  	_ =	shalt  }
0x5b: {  	_ =	shalt  }
0x5c: {  	_ =	shalt  }
0x5d: {  	_ =	shalt  }
0x5e: {  	_ =	shalt  }
0x5f: {  	_ =	shalt  }
0x60: {  	_ =	shalt  }
0x61: {  	_ =	shalt  }
0x62: {  	_ =	shalt  }
0x63: {  	_ =	shalt  }
0x64: {  	_ =	shalt  }
0x65: {  	_ =	shalt  }
0x66: {  	_ =	shalt  }
0x67: {  	_ =	shalt  }
0x68: {  	_ =	shalt  }
0x69: {  	_ =	shalt  }
0x6a: {  	_ =	shalt  }
0x6b: {  	_ =	shalt  }
0x6c: {  	_ =	shalt  }
0x6d: {  	_ =	shalt  }
0x6e: {  	_ =	shalt  }
0x6f: {  	_ =	shalt  }
0x70: {  	_ =	shalt  }
0x71: {  	_ =	shalt  }
0x72: {  	_ =	shalt  }
0x73: {  	_ =	shalt  }
0x74: {  	_ =	shalt  }
0x75: {  	_ =	shalt  }
0x76: {  	_ =	shalt  }
0x77: {  	_ =	shalt  }
0x78: {  	_ =	shalt  }
0x79: {  	_ =	shalt  }
0x7a: {  	_ =	shalt  }
0x7b: {  	_ =	shalt  }
0x7c: {  	_ =	shalt  }
0x7d: {  	_ =	shalt  }
0x7e: {  	_ =	shalt  }
0x7f: {  	_ =	shalt  }
0x80: {  	_ =	shalt  }
0x81: {  	_ =	shalt  }
0x82: {  	_ =	shalt  }
0x83: {  	_ =	shalt  }
0x84: {  	_ =	shalt  }
0x85: {  	_ =	shalt  }
0x86: {  	_ =	shalt  }
0x87: {  	_ =	shalt  }
.Lfunc_end0:
.L_simem_size_0:
called_computation_lowered:
.L_overlay_start_0:
0x88: {  	s2 =	sld [smem:$0x3FD9]  }
0x89: {  	s3 =	sld [smem:$0x3FFE];
	_ =	sdelay $0x1  }
0x8a: {  	s1 =	srdreg.scid  }
0x8b: {  	s0 =	sand.u32 $0x1, s1  }
0x8c: {  	s17 =	sshll.u32 s0, $0xA;
	s2 =	sadd.s32 s3, s2  }
0x8d: {  	s2 =	sadd.s32 s2, s17  }
0x8e: {  	[smem:$0x3FB0] =	sst s2  }
0x8f: {  	_ = 	snop  }
0x90: {  	s2 =	sld [smem:$0x3FD0];
	(tm) =	ssettm $0x1  }
0x91: {  	s18 =	sld [smem:$0x3FFB];
	_ =	sdelay $0x3  }
0x92: {  	_ =	strace s18  }
0x93: {  	s3 =	sld [smem:$0x3FFC];
	_ =	sdelay $0x3  }
0x94: {  	_ =	strace s3  }
0x95: {  	s3 =	sld [smem:$0x3FFD];
	_ =	sdelay $0x3  }
0x96: {  	_ =	strace s3  }
0x97: {  	_ =	strace $0x8FFFFFFF  }
0x98: {  	s19 =	sld [smem:$0x3FDB];
	_ =	sdelay $0x1  }
0x99: {  	s4 =	simm.s32 $_scs_section_size  }
0x9a: {  	s5 =	simm.s32 $_size__tile_overlayer_lowered;
	s6 =	simm.s32 $_tile_overlayer_lowered  }
0x9b: {  	s22 =	simm.s32 $0x1BFF;
	s21 =	sshll.u32 s6, $0x1;
	s3 =	sadd.s32 s4, s19  }
0x9c: {  	s7 =	simm.s32 $0x0;
	s20 =	sshll.u32 s5, $0x1;
	s5 =	sadd.s32 s21, s3  }
0x9d: {  	[timem:s7], [sflag:s22] =	dma.local [hbm:s5], s20  }
0x9e: {  	_ =	swait.ge [sflag:s22], s20  }
0x9f: {  	s4 =	ssub.s32 $0x0, s20;
	[sflag:s22] =	ssyncset.done $0x0  }
0xa0: {  	[sflag:s22] =	ssyncadd.s32 s4;
	_ =	sdelay $0x1  }
0xa1: {  	s23 =	simm.s32 $0x1B8B  }
0xa2: {  	_ =	swait.ge [sflag:s23], $0x1  }
0xa3: {  	[sflag:s23] =	ssyncset.done $0x0  }
0xa4: {  	s25 =	simm.s32 $0x1B8E;
	s24 =	sld [smem:$0x3FFE];
	[sflag:s23] =	ssyncadd.s32 $0xFFFFFFFF  }
0xa5: {  	s26 =	simm.s32 $execute0_lowered;
	[smem:$0x3FD2] =	sst s25  }
0xa6: {  	s5 =	sshll.u32 s26, $0x1;
	_ =	strace $0x80000046;
	[dreg:$0x1] =	wrdreg $0xFFFFFFFF  }
0xa7: {  	s28 =	simm.s32 $_size_execute0_lowered;
	s3 =	sadd.s32 s3, s5;
	[dreg:$0x0] =	wrdreg $0x0  }
0xa8: {  	s5 =	sshll.u32 s28, $0x1;
	[dreg:$0x2] =	wrdreg s3  }
0xa9: {  	[dreg:$0x3] =	wrdreg s5  }
0xaa: {  	[dreg:$0x4] =	wrdreg $0xC0  }
0xab: {  	_ =	task [dreg:s7], $0x5FFFF  }
0xac: {  	[dreg:$0x1] =	wrdreg $0xFFFFFFFF  }
0xad: {  	[dreg:$0x0] =	wrdreg $0x60  }
0xae: {  	[dreg:$0x2] =	wrdreg s24  }
0xaf: {  	[dreg:$0x3] =	wrdreg s2  }
0xb0: {  	[dreg:$0x4] =	wrdreg $0x0  }
0xb1: {  	[dreg:$0x5] =	wrdreg $0x9  }
0xb2: {  	_ =	task.clear_ibuf [dreg:s7], $0x6FFFF;
	_ =	strace $0x90000046  }
0xb3: {  	s29 =	simm.s32 $0x9;
	_ =	strace $0x80000048  }
0xb4: {  	_ =	swait.ge [sflag:s29], $0x1  }
0xb5: {  	[sflag:s29] =	ssyncadd.s32 $0xFFFFFFFF  }
0xb6: {  	_ =	strace $0x90000048  }
0xb7: {  	_ =	sfence  }
0xb8: {  	s30 =	sld [smem:$0x0];
	_ =	sdelay $0x2  }
0xb9: {  	s31 =	sshll.u32 s1, $0xD;
	s1 =	sshrl.u32 s1, $0x2  }
0xba: {  	s3 =	sand.u32 $0x4000, s31;
	s1 =	sadd.s32 s1, s30  }
0xbb: {  	s0 =	sor.u32 s3, s0;
	s1 =	sshll.u32 s1, $0x11  }
0xbc: {  	s0 =	sor.u32 s1, s0  }
0xbd: {  	s0 =	sadd.s32 $0x8F2B, s0  }
0xbe: {  	[sflag:s0] =	ssyncadd.remote.s32 $0x1  }
0xbf: {  	_ =	sfence.sel $0xFFFF  }
0xc0: {  	[dreg:$0x0] =	wrdreg $0xFFFFFFFF;
	(pc) =	sbr.abs _section_cstart, $3  }
0xc1: {  	[dreg:$0x1] =	wrdreg $0xFFFFFFFF  }
0xc2: {  	_ =	task.clear_ibuf [dreg:s7], $0x2FFFF;
	_ =	strace $0x9FFFFFFF  }
0xc3: {  	(tm) =	ssettm $0x7FFFFFFF  }
tec
execute0_lowered:
.L_overlay_start_1:
0x0: {  	(tag) =	ssettag $0x1  }
0x1: {  	s0 =	rddreg [dreg:$0x0]  }
0x2: {  	s3 =	rddreg [dreg:$0x2]  }
0x3: {  	s1 =	srdreg.scid;
	s2 =	stileid.u32  }
0x4: {  	s12 =	simm.s32 $0x0;
	s13 =	simm.s32 $0x5;
	s14 =	simm.s32 $0x13880  }
0x5: {  	s15 =	simm.s32 $0x14820;
	s16 =	simm.s32 $0x50;
	s17 =	simm.s32 $0x157C0  }
0x6: {  	s18 =	simm.s32 $0x138D0;
	s19 =	simm.s32 $0x17FC0;
	s20 =	simm.s32 $0x13920  }
0x7: {  	s21 =	simm.s32 $0x1A7C0;
	s22 =	simm.s32 $0x13970;
	s23 =	simm.s32 $0x1CFC0  }
0x8: {  	s28 =	simm.s32 $0x4;
	s29 =	simm.s32 $0x155E0;
	s30 =	simm.s32 $0x14780  }
0x9: {  	s31 =	simm.s32 $0x15630;
	s4 =	sand.u32 $0x1, s1;
	s24 =	smul.u32 $0x13880, s2  }
0xa: {  	[smem:$0x7FF] =	sst s12;
	s5 =	sadd.s32 $0xCE00, s0;
	s6 =	sadd.s32 $0x3000, s0  }
0xb: {  	s8 =	sadd.s32 $0x5B000, s0;
	s9 =	sshll.u32 s2, $0x6;
	s7 =	smul.u32 $0x138800, s4  }
0xc: {  	_ =	strace $0x80000047;
	[dreg:$0x5] =	wrdreg s8;
	s25 =	ssub.s32 $0x2, s4  }
0xd: {  	s8 =	sor.u32 $0x1C05, s9;
	s9 =	smul.u32 $0x4E20, s2;
	s26 =	sshrl.u32 s25, $0x1  }
0xe: {  	s1 =	sadd.s32 s24, s3;
	[dreg:$0x6] =	wrdreg s8;
	s7 =	sadd.s32 s24, s7  }
0xf: {  	s11 =	sshrl.u32 s1, $0x3;
	s24 =	simm.s32 $0x1;
	s1 =	simm.s32 $0x15680  }
0x10: {  	v0 =	vmov s4;
	s7 =	sshrl.u32 s7, $0x3;
	s4 =	smov.u32 s11;
	s11 =	simm.s32 $0x15770  }
0x11: {  	s0 =	sadd.s32 s7, s0;
	s7 =	ssub.s32 s25, s26;
	s25 =	simm.s32 $0x2  }
0x12: {  	s26 =	simm.s32 $0x3;
	[dreg:$0x9] =	wrdreg s4;
	s0 =	sadd.s32 $0x5D800, s0  }
0x13: {  	s10 =	smax.u32 s7, $0x1;
	s7 =	simm.s32 $0x156D0;
	[dreg:$0x7] =	wrdreg s0  }
0x14: {  	[dreg:$0x8] =	wrdreg s10;
	s0 =	simm.s32 $0x147D0;
	s10 =	simm.s32 $0x15720  }
.LBB2_1:
0x15: {  	[dreg:$0x4] =	wrdreg s12  }
0x16: {  	s2 =	rddreg [dreg:$0x5]  }
0x17: {  	[spmem:s4], [sflag:s8] =	dma.local [hbm:s2], $0x2710  }
0x18: {  	_ =	swait.ge [sflag:s13], $0x2710  }
0x19: {  	[sflag:s13] =	ssyncset.done $0x0  }
0x1a: {  	[sflag:s13] =	ssyncadd.s32 $0xFFFFD8F0  }
0x1b: {  	s8 =	simm.s32 $0x0;
	[bflag:$0x0] =	sbarrier.arrive $0xFFFF  }
.LBB2_2:
0x1c: {  	s4 =	smul.u32 $0xFA0, s8;
	_ =	sdelay $0x1  }
0x1d: {  	s4 =	sadd.s32 s9, s4  }
0x1e: {  	s4 =	sshrl.u32 s4, $0x3  }
0x1f: {  	s2 =	simm.s32 $0x0;
	s12 =	sadd.s32 s6, s4  }
0x20: {  	[tilespmem:s14], [sflag:$0x5] =	stream.linear.gather [hbm4b:s12+s2], $0xFA0, $0x38;
	[tilespmem:$0x1F7C0] =	vst v63  }
0x21: {  	_ =	swait.ge [sflag:s13], $0xFA0  }
0x22: {  	[sflag:s13] =	ssyncset.done $0x0  }
0x23: {  	[sflag:s13] =	ssyncadd.s32 $0xFFFFF060  }
0x24: {  	s12 =	rddreg [dreg:$0x1]  }
0x25: {  	s4 =	sadd.s32 s12, s4  }
0x26: {  	[tilespmem:s15], [sflag:$0x5] =	stream.linear.gather [hbm4b:s4+s2], $0xFA0, $0x38;
	[tilespmem:$0x1F7C0] =	vst v63  }
0x27: {  	_ =	swait.ge [sflag:s13], $0xFA0  }
0x28: {  	[sflag:s13] =	ssyncset.done $0x0  }
0x29: {  	s12 =	simm.s32 $0x40;
	s4 =	simm.s32 $0x0;
	[sflag:s13] =	ssyncadd.s32 $0xFFFFF060  }
.LBB2_3:
0x2a: {  	p0 =	sne.s32 s12, $0x3E40;
	v1 =	vld [tilespmem:s4+$0x13880];
	_ =	sdelay $0x2  }
.Ltmp0:
0x2b: {  	(pc) =	sbr.rel @p0 .LBB2_3-.Ltmp0, $4  }
0x2c: {  	_ = 	snop  }
0x2d: {  	v1 =	vshll.u32 v1, $0x1  }
0x2e: {  	v1 =	vor.u32 v0, v1  }
0x2f: {  	[tilespmem:s4+$0x13880] =	vst v1;
	s4 =	sshra.s32 s12, $0x2;
	s12 =	sadd.s32 $0x40, s12  }
0x30: {  	v1 =	vld [tilespmem:s4+$0x13880];
	_ =	sdelay $0x4  }
0x31: {  	v1 =	vshll.u32 v1, $0x1  }
0x32: {  	v1 =	vor.u32 v0, v1  }
0x33: {  	[tilespmem:s4+$0x13880] =	vst v1  }
0x34: {  	[tilespmem:s17], [sflag:$0x1] =	stream.indirect.gather [hbm4b:s5+s16], $0x80, s14, s16, $0xb8;
	[tilespmem:$0x1F7C0] =	vst v63  }
0x35: {  	_ = 	snop  }
0x36: {  	[tilespmem:s19], [sflag:$0x2] =	stream.indirect.gather [hbm4b:s5+s16], $0x80, s18, s16, $0xb8;
	[tilespmem:$0x1F7C0] =	vst v63  }
0x37: {  	_ = 	snop  }
0x38: {  	[tilespmem:s21], [sflag:$0x3] =	stream.indirect.gather [hbm4b:s5+s16], $0x80, s20, s16, $0xb8;
	[tilespmem:$0x1F7C0] =	vst v63  }
0x39: {  	_ = 	snop  }
0x3a: {  	[tilespmem:s23], [sflag:$0x4] =	stream.indirect.gather [hbm4b:s5+s16], $0x80, s22, s16, $0xb8;
	[tilespmem:$0x1F7C0] =	vst v63  }
0x3b: {  	_ =	swait.ge [sflag:s24], $0x2800  }
0x3c: {  	[sflag:s24] =	ssyncset.done $0x0  }
0x3d: {  	s2 =	simm.s32 $0x14820;
	[sflag:s24] =	ssyncadd.s32 $0xFFFFD800  }
0x3e: {  	[spmem:s3] =	stream.indirect.scatter.add.f32 [tilespmem:s17], [sflag:$0x5], $0x80, s2, s16, $0xb8;
	[tilespmem:$0x1F7C0] =	vst v63  }
0x3f: {  	_ =	swait.ge [sflag:s13], $0x2800  }
0x40: {  	[sflag:s13] =	ssyncset.done $0x0  }
0x41: {  	s4 =	simm.s32 $0x139C0;
	[sflag:s13] =	ssyncadd.s32 $0xFFFFD800  }
0x42: {  	[tilespmem:s17], [sflag:$0x1] =	stream.indirect.gather [hbm4b:s5+s16], $0x80, s4, s16, $0xb8;
	[tilespmem:$0x1F7C0] =	vst v63  }
0x43: {  	_ =	swait.ge [sflag:s25], $0x2800  }
0x44: {  	[sflag:s25] =	ssyncset.done $0x0  }
0x45: {  	s12 =	simm.s32 $0x14870;
	[sflag:s25] =	ssyncadd.s32 $0xFFFFD800  }
0x46: {  	[spmem:s3] =	stream.indirect.scatter.add.f32 [tilespmem:s19], [sflag:$0x5], $0x80, s12, s16, $0xb8;
	[tilespmem:$0x1F7C0] =	vst v63  }
0x47: {  	_ =	swait.ge [sflag:s13], $0x2800  }
0x48: {  	[sflag:s13] =	ssyncset.done $0x0  }
0x49: {  	s4 =	simm.s32 $0x13A10;
	[sflag:s13] =	ssyncadd.s32 $0xFFFFD800  }
0x4a: {  	[tilespmem:s19], [sflag:$0x2] =	stream.indirect.gather [hbm4b:s5+s16], $0x80, s4, s16, $0xb8;
	[tilespmem:$0x1F7C0] =	vst v63  }
0x4b: {  	_ =	swait.ge [sflag:s26], $0x2800  }
0x4c: {  	[sflag:s26] =	ssyncset.done $0x0  }
0x4d: {  	s12 =	simm.s32 $0x148C0;
	[sflag:s26] =	ssyncadd.s32 $0xFFFFD800  }
0x4e: {  	[spmem:s3] =	stream.indirect.scatter.add.f32 [tilespmem:s21], [sflag:$0x5], $0x80, s12, s16, $0xb8;
	[tilespmem:$0x1F7C0] =	vst v63  }
0x4f: {  	_ =	swait.ge [sflag:s13], $0x2800  }
0x50: {  	[sflag:s13] =	ssyncset.done $0x0  }
0x51: {  	s4 =	simm.s32 $0x13A60;
	[sflag:s13] =	ssyncadd.s32 $0xFFFFD800  }
0x52: {  	[tilespmem:s21], [sflag:$0x3] =	stream.indirect.gather [hbm4b:s5+s16], $0x80, s4, s16, $0xb8;
	[tilespmem:$0x1F7C0] =	vst v63  }
0x53: {  	_ =	swait.ge [sflag:s28], $0x2800  }
0x54: {  	[sflag:s28] =	ssyncset.done $0x0  }
0x55: {  	s12 =	simm.s32 $0x14910;
	[sflag:s28] =	ssyncadd.s32 $0xFFFFD800  }
0x56: {  	[spmem:s3] =	stream.indirect.scatter.add.f32 [tilespmem:s23], [sflag:$0x5], $0x80, s12, s16, $0xb8;
	[tilespmem:$0x1F7C0] =	vst v63  }
0x57: {  	_ =	swait.ge [sflag:s13], $0x2800  }
0x58: {  	[sflag:s13] =	ssyncset.done $0x0  }
0x59: {  	s4 =	simm.s32 $0x13AB0;
	s12 =	simm.s32 $0x500;
	[sflag:s13] =	ssyncadd.s32 $0xFFFFD800  }
.LBB2_5:
0x5a: {  	[tilespmem:s23], [sflag:$0x4] =	stream.indirect.gather [hbm4b:s5+s16], $0x80, s4, s16, $0xb8;
	[tilespmem:$0x1F7C0] =	vst v63  }
0x5b: {  	s2 =	smov.u32 s12  }
0x5c: {  	p0 =	sne.s32 s12, $0x3200;
	s12 =	sadd.s32 $0x500, s12;
	_ =	swait.ge [sflag:s24], $0x2800  }
0x5d: {  	s4 =	sshra.s32 s2, $0x2;
	[sflag:s24] =	ssyncset.done $0x0  }
0x5e: {  	s2 =	sadd.s32 $0x14820, s4;
	[sflag:s24] =	ssyncadd.s32 $0xFFFFD800  }
0x5f: {  	[spmem:s3] =	stream.indirect.scatter.add.f32 [tilespmem:s17], [sflag:$0x5], $0x80, s2, s16, $0xb8;
	[tilespmem:$0x1F7C0] =	vst v63  }
0x60: {  	_ =	swait.ge [sflag:s13], $0x2800  }
0x61: {  	[sflag:s13] =	ssyncset.done $0x0  }
0x62: {  	s2 =	sadd.s32 $0x139C0, s4;
	[sflag:s13] =	ssyncadd.s32 $0xFFFFD800  }
0x63: {  	[tilespmem:s17], [sflag:$0x1] =	stream.indirect.gather [hbm4b:s5+s16], $0x80, s2, s16, $0xb8;
	[tilespmem:$0x1F7C0] =	vst v63  }
0x64: {  	_ =	swait.ge [sflag:s25], $0x2800  }
0x65: {  	[sflag:s25] =	ssyncset.done $0x0  }
0x66: {  	s2 =	sadd.s32 $0x14870, s4;
	[sflag:s25] =	ssyncadd.s32 $0xFFFFD800  }
0x67: {  	[spmem:s3] =	stream.indirect.scatter.add.f32 [tilespmem:s19], [sflag:$0x5], $0x80, s2, s16, $0xb8;
	[tilespmem:$0x1F7C0] =	vst v63  }
0x68: {  	_ =	swait.ge [sflag:s13], $0x2800  }
0x69: {  	[sflag:s13] =	ssyncset.done $0x0  }
0x6a: {  	s2 =	sadd.s32 $0x13A10, s4;
	[sflag:s13] =	ssyncadd.s32 $0xFFFFD800  }
0x6b: {  	[tilespmem:s19], [sflag:$0x2] =	stream.indirect.gather [hbm4b:s5+s16], $0x80, s2, s16, $0xb8;
	[tilespmem:$0x1F7C0] =	vst v63  }
0x6c: {  	_ =	swait.ge [sflag:s26], $0x2800  }
0x6d: {  	[sflag:s26] =	ssyncset.done $0x0  }
0x6e: {  	s2 =	sadd.s32 $0x148C0, s4;
	[sflag:s26] =	ssyncadd.s32 $0xFFFFD800  }
0x6f: {  	[spmem:s3] =	stream.indirect.scatter.add.f32 [tilespmem:s21], [sflag:$0x5], $0x80, s2, s16, $0xb8;
	[tilespmem:$0x1F7C0] =	vst v63  }
0x70: {  	_ =	swait.ge [sflag:s13], $0x2800  }
0x71: {  	[sflag:s13] =	ssyncset.done $0x0  }
0x72: {  	s2 =	sadd.s32 $0x13A60, s4;
	[sflag:s13] =	ssyncadd.s32 $0xFFFFD800  }
0x73: {  	[tilespmem:s21], [sflag:$0x3] =	stream.indirect.gather [hbm4b:s5+s16], $0x80, s2, s16, $0xb8;
	[tilespmem:$0x1F7C0] =	vst v63  }
0x74: {  	_ =	swait.ge [sflag:s28], $0x2800  }
0x75: {  	[sflag:s28] =	ssyncset.done $0x0  }
.Ltmp1:
0x76: {  	s2 =	sadd.s32 $0x14910, s4;
	[sflag:s28] =	ssyncadd.s32 $0xFFFFD800;
	(pc) =	sbr.rel @p0 .LBB2_5-.Ltmp1, $4  }
0x77: {  	[spmem:s3] =	stream.indirect.scatter.add.f32 [tilespmem:s23], [sflag:$0x5], $0x80, s2, s16, $0xb8;
	[tilespmem:$0x1F7C0] =	vst v63  }
0x78: {  	_ =	swait.ge [sflag:s13], $0x2800  }
0x79: {  	[sflag:s13] =	ssyncset.done $0x0  }
0x7a: {  	s4 =	sadd.s32 $0x13AB0, s4;
	[sflag:s13] =	ssyncadd.s32 $0xFFFFD800  }
0x7b: {  	[tilespmem:s23], [sflag:$0x4] =	stream.indirect.gather [hbm4b:s5+s16], $0x80, s4, s16, $0xb8;
	[tilespmem:$0x1F7C0] =	vst v63  }
0x7c: {  	_ =	swait.ge [sflag:s24], $0x2800  }
0x7d: {  	[sflag:s24] =	ssyncset.done $0x0  }
0x7e: {  	[sflag:s24] =	ssyncadd.s32 $0xFFFFD800  }
0x7f: {  	[spmem:s3] =	stream.indirect.scatter.add.f32 [tilespmem:s17], [sflag:$0x5], $0x80, s29, s16, $0xb8;
	[tilespmem:$0x1F7C0] =	vst v63  }
0x80: {  	_ =	swait.ge [sflag:s13], $0x2800  }
0x81: {  	[sflag:s13] =	ssyncset.done $0x0  }
0x82: {  	[sflag:s13] =	ssyncadd.s32 $0xFFFFD800  }
0x83: {  	[tilespmem:s17], [sflag:$0x1] =	stream.indirect.gather [hbm4b:s5+s16], $0x80, s30, s16, $0xb8;
	[tilespmem:$0x1F7C0] =	vst v63  }
0x84: {  	_ =	swait.ge [sflag:s25], $0x2800  }
0x85: {  	[sflag:s25] =	ssyncset.done $0x0  }
0x86: {  	[sflag:s25] =	ssyncadd.s32 $0xFFFFD800  }
0x87: {  	[spmem:s3] =	stream.indirect.scatter.add.f32 [tilespmem:s19], [sflag:$0x5], $0x80, s31, s16, $0xb8;
	[tilespmem:$0x1F7C0] =	vst v63  }
0x88: {  	_ =	swait.ge [sflag:s13], $0x2800  }
0x89: {  	[sflag:s13] =	ssyncset.done $0x0  }
0x8a: {  	[sflag:s13] =	ssyncadd.s32 $0xFFFFD800  }
0x8b: {  	[tilespmem:s19], [sflag:$0x2] =	stream.indirect.gather [hbm4b:s5+s16], $0x80, s0, s16, $0xb8;
	[tilespmem:$0x1F7C0] =	vst v63  }
0x8c: {  	_ =	swait.ge [sflag:s26], $0x2800  }
0x8d: {  	[sflag:s26] =	ssyncset.done $0x0  }
0x8e: {  	[sflag:s26] =	ssyncadd.s32 $0xFFFFD800  }
0x8f: {  	[spmem:s3] =	stream.indirect.scatter.add.f32 [tilespmem:s21], [sflag:$0x5], $0x80, s1, s16, $0xb8;
	[tilespmem:$0x1F7C0] =	vst v63  }
0x90: {  	_ =	swait.ge [sflag:s13], $0x2800  }
0x91: {  	[sflag:s13] =	ssyncset.done $0x0  }
0x92: {  	[sflag:s13] =	ssyncadd.s32 $0xFFFFD800  }
0x93: {  	_ =	swait.ge [sflag:s28], $0x2800  }
0x94: {  	[sflag:s28] =	ssyncset.done $0x0  }
0x95: {  	[sflag:s28] =	ssyncadd.s32 $0xFFFFD800  }
0x96: {  	[spmem:s3] =	stream.indirect.scatter.add.f32 [tilespmem:s23], [sflag:$0x5], $0x80, s7, s16, $0xb8;
	[tilespmem:$0x1F7C0] =	vst v63  }
0x97: {  	_ =	swait.ge [sflag:s13], $0x2800  }
0x98: {  	[sflag:s13] =	ssyncset.done $0x0  }
0x99: {  	[sflag:s13] =	ssyncadd.s32 $0xFFFFD800  }
0x9a: {  	_ =	swait.ge [sflag:s24], $0x2800  }
0x9b: {  	[sflag:s24] =	ssyncset.done $0x0  }
0x9c: {  	[sflag:s24] =	ssyncadd.s32 $0xFFFFD800  }
0x9d: {  	[spmem:s3] =	stream.indirect.scatter.add.f32 [tilespmem:s17], [sflag:$0x5], $0x80, s10, s16, $0xb8;
	[tilespmem:$0x1F7C0] =	vst v63  }
0x9e: {  	_ =	swait.ge [sflag:s13], $0x2800  }
0x9f: {  	[sflag:s13] =	ssyncset.done $0x0  }
0xa0: {  	[sflag:s13] =	ssyncadd.s32 $0xFFFFD800  }
0xa1: {  	s8 =	sadd.s32 $0x1, s8;
	_ =	swait.ge [sflag:s25], $0x2800  }
0xa2: {  	p0 =	sne.s32 s8, $0x5;
	[sflag:s25] =	ssyncset.done $0x0  }
.Ltmp2:
0xa3: {  	[sflag:s25] =	ssyncadd.s32 $0xFFFFD800;
	(pc) =	sbr.rel @p0 .LBB2_2-.Ltmp2, $4  }
0xa4: {  	[spmem:s3] =	stream.indirect.scatter.add.f32 [tilespmem:s19], [sflag:$0x5], $0x80, s11, s16, $0xb8;
	[tilespmem:$0x1F7C0] =	vst v63  }
0xa5: {  	_ =	swait.ge [sflag:s13], $0x2800  }
0xa6: {  	[sflag:s13] =	ssyncset.done $0x0  }
0xa7: {  	[sflag:s13] =	ssyncadd.s32 $0xFFFFD800  }
0xa8: {  	[bflag:$0x0] =	sbarrier.arrive $0xFFFF  }
0xa9: {  	s8 =	rddreg [dreg:$0x6]  }
0xaa: {  	s2 =	rddreg [dreg:$0x7]  }
0xab: {  	s4 =	rddreg [dreg:$0x9]  }
0xac: {  	[hbm:s2], [sflag:s8] =	dma.local [spmem:s4], $0x2710  }
0xad: {  	_ =	swait.ge [sflag:s13], $0x2710  }
0xae: {  	s12 =	rddreg [dreg:$0x4]  }
0xaf: {  	s2 =	rddreg [dreg:$0x8];
	s12 =	sadd.s32 $0x1, s12  }
0xb0: {  	p0 =	sne.s32 s12, s2  }
.Ltmp3:
0xb1: {  	_ = 	snop;
	(pc) =	sbr.rel @p0 .LBB2_1-.Ltmp3, $3  }
0xb2: {  	_ =	sdelay $0x1  }
0xb3: {  	[sflag:s13] =	ssyncset.done $0x0  }
0xb4: {  	[sflag:s13] =	ssyncadd.s32 $0xFFFFD8F0  }
0xb5: {  	_ =	sfence.sel $0x180000  }
0xb6: {  	[bflag:$0x0] =	sbarrier.arrive $0xFFFF  }
0xb7: {  	_ =	strace $0x90000047  }
0xb8: {  	s0 =	stileid.u32;
	[bflag:$0x2] =	sbarrier.arrive $0xFFFF  }
0xb9: {  	p0 =	sne.s32 s0, $0x0;
	s0 =	rddreg [dreg:$0x3]  }
0xba: {  	s0 =	sadd.s32 @!p0 $0x100000, s0  }
0xbb: {  	[sflag:s0] =	ssyncadd.tile.s32 @!p0 $0x1;
	_ =	shalt  }
.Lfunc_end2:
_tile_overlayer_lowered:
.L_overlay_start_2:
0xbc: {  	(tag) =	ssettag $0x2  }
0xbd: {  	s0 =	rddreg [dreg:$0x0];
	s2 =	stileid.u32  }
0xbe: {  	s1 =	rddreg [dreg:$0x1];
	p0 =	sne.s32 s2, $0x0  }
0xbf: {  	s3 =	rddreg [dreg:$0x2];
	[bflag:$0x3] =	sbarrier.arrive $0xFFFF;
	s2 =	simm.s32 @!p0 $0x1C05  }
0xc0: {  	[timem:s3], [sflag:s2] =	dma.local @!p0 [hbm:s0], s1  }
0xc1: {  	s0 =	simm.s32 @!p0 $0x5  }
0xc2: {  	_ =	swait.ge @!p0 [sflag:s0], s1  }
0xc3: {  	s1 =	ssub.s32 @!p0 $0x0, s1;
	[sflag:s0] =	ssyncset.done @!p0 $0x0  }
0xc4: {  	[sflag:s0] =	ssyncadd.s32 @!p0 s1  }
0xc5: {  	[bflag:$0x3] =	sbarrier.arrive $0xFFFF  }
0xc6: {  	_ =	shalt  }

</sc_bundles>
